<compile_context>
chip_gen: v7x
topology: tpu7x:2x2x1
jax: 0.10.2.dev20260603
libtpu: 0.0.44.dev20260713+nightly
codegen_flags: <defaults>
</compile_context>

<pallas_src>
import functools

import jax
import jax.numpy as jnp
from jax import lax
from jax.experimental import pallas as pl
from jax.experimental.pallas import tpu as pltpu
from jax.experimental.pallas import tpu_sc as plsc

_ROWS = 16384
_COLS = 200

_RTC = 14336
_BR = 2048
_RSC = _ROWS - _RTC
_NW = 32
_RPW = _RSC // _NW
_CH = 64
_NCH = _RPW // _CH

_DCOLS = [16 * v for v in range(12)] + [184]


def _tc_body(p_ref, t_ref, m_ref, out_ref, acc_ref):
    i = pl.program_id(0)

    @pl.when(i == 0)
    def _init():
        acc_ref[0] = 0.0
        acc_ref[1] = 0.0

    p = p_ref[...]
    t = t_ref[...]
    m = m_ref[...]
    elem = jnp.exp(p) - t * p
    acc_ref[0] += jnp.sum(jnp.where(m, elem, 0.0))
    acc_ref[1] += jnp.sum(m.astype(jnp.float32))

    @pl.when(i == pl.num_programs(0) - 1)
    def _fin():
        out_ref[0, 0] = acc_ref[0]
        out_ref[0, 1] = acc_ref[1]


def _sc_body(p_hbm, t_hbm, m_hbm, sum_out, cnt_out, pbuf, tbuf, mbuf, accv, cntv):
    wid = lax.axis_index("s") * 2 + lax.axis_index("c")
    row0 = wid * _RPW

    acc = jnp.zeros((16,), jnp.float32)
    cnt = jnp.zeros((16,), jnp.float32)

    for c in range(_NCH):
        r0 = row0 + c * _CH
        pltpu.sync_copy(p_hbm.at[pl.ds(r0, _CH), :], pbuf)
        pltpu.sync_copy(t_hbm.at[pl.ds(r0, _CH), :], tbuf)
        pltpu.sync_copy(m_hbm.at[pl.ds(r0, _CH), :], mbuf)

        def _row(r, carry):
            acc, cnt = carry
            iota = lax.iota(jnp.int32, 16)
            tailw = (1 - lax.shift_right_logical(iota - 8, 31)).astype(
                jnp.float32
            )
            for d in _DCOLS:
                mf = mbuf[r, pl.ds(d, 16)]
                if d == 184:
                    mf = mf * tailw
                p = pbuf[r, pl.ds(d, 16)]
                t = tbuf[r, pl.ds(d, 16)]
                acc = acc + mf * (jnp.exp(p) - t * p)
                cnt = cnt + mf
            return acc, cnt

        acc, cnt = lax.fori_loop(0, _CH, _row, (acc, cnt))

    accv[...] = acc
    cntv[...] = cnt
    pltpu.sync_copy(accv, sum_out.at[wid])
    pltpu.sync_copy(cntv, cnt_out.at[wid])


@jax.jit
def kernel(y_pred, y_true, mask):
    p_sc = lax.slice(y_pred, (_RTC, 0), (_ROWS, _COLS))
    t_sc = lax.slice(y_true, (_RTC, 0), (_ROWS, _COLS))
    m_sc = lax.slice(mask, (_RTC, 0), (_ROWS, _COLS)).astype(jnp.float32)
    mesh = plsc.VectorSubcoreMesh(core_axis_name="c", subcore_axis_name="s")
    sc_run = functools.partial(
        pl.kernel,
        out_type=(
            jax.ShapeDtypeStruct((_NW, 16), jnp.float32),
            jax.ShapeDtypeStruct((_NW, 16), jnp.float32),
        ),
        mesh=mesh,
        scratch_types=[
            pltpu.VMEM((_CH, _COLS), jnp.float32),
            pltpu.VMEM((_CH, _COLS), jnp.float32),
            pltpu.VMEM((_CH, _COLS), jnp.float32),
            pltpu.VMEM((16,), jnp.float32),
            pltpu.VMEM((16,), jnp.float32),
        ],
    )(_sc_body)
    sums, cnts = sc_run(p_sc, t_sc, m_sc)

    out_tc = pl.pallas_call(
        _tc_body,
        grid=(_RTC // _BR,),
        in_specs=[
            pl.BlockSpec((_BR, _COLS), lambda i: (i, 0)),
            pl.BlockSpec((_BR, _COLS), lambda i: (i, 0)),
            pl.BlockSpec((_BR, _COLS), lambda i: (i, 0)),
        ],
        out_specs=pl.BlockSpec(memory_space=pltpu.SMEM),
        out_shape=jax.ShapeDtypeStruct((1, 2), jnp.float32),
        scratch_shapes=[pltpu.SMEM((2,), jnp.float32)],
    )(y_pred, y_true, mask)

    total = out_tc[0, 0] + jnp.sum(sums)
    count = out_tc[0, 1] + jnp.sum(cnts)
    return total / count

# --- scband reference (transcript-rebuilt; emitter-appended) ---
"""Pipeline reference for scband-masked-poisson-loss-47957604827579 (READ-ONLY COPY).

The authoritative reference and input builder live on the scoring server;
editing this copy changes nothing except your own understanding.
"""

import jax, jax.numpy as jnp
import numpy as np


def setup_inputs(seed: int = 0) -> dict:
    key = jax.random.key(seed)
    k1, k2, k3 = jax.random.split(key, 3)
    y_pred = jax.random.normal(k1, (16384, 200), dtype=jnp.float32)
    # Poisson-like non-negative targets
    y_true = jax.random.uniform(k2, (16384, 200), dtype=jnp.float32) * 10.0
    mask = jax.random.randint(k3, (16384, 200), 0, 2).astype(jnp.bool_)
    return {"y_pred": y_pred, "y_true": y_true, "mask": mask}


def reference(y_pred, y_true, mask):
    # torch.masked_select + poisson_nll_loss(log_input=True, reduction='none').mean()
    # poisson_nll with log_input=True: loss = exp(pred) - true * pred
    y_pred = y_pred.astype(jnp.float32)
    y_true = y_true.astype(jnp.float32)
    elem = jnp.exp(y_pred) - y_true * y_pred
    cnt = jnp.sum(mask).astype(jnp.float32)
    total = jnp.sum(jnp.where(mask, elem, jnp.zeros_like(elem)))
    return total / cnt

if __name__ == "__main__":
    import jax
    _d = setup_inputs()
    print(jax.jit(kernel)(*tuple(_d.values())))

</pallas_src>

<mosaic_0001>
#map = affine_map<(d0, d1) -> (0, 0)>
module attributes {stable_mosaic.version = 14 : i64} {
  func.func @_sc_body(%arg0: i32, %arg1: i32, %arg2: memref<2048x200xf32, #tpu.memory_space<hbm>>, %arg3: memref<2048x200xf32, #tpu.memory_space<hbm>>, %arg4: memref<2048x200xf32, #tpu.memory_space<hbm>>, %arg5: memref<32x16xf32, #tpu.memory_space<hbm>>, %arg6: memref<32x16xf32, #tpu.memory_space<hbm>>, %arg7: memref<64x200xf32, #tpu.memory_space<vmem>>, %arg8: memref<64x200xf32, #tpu.memory_space<vmem>>, %arg9: memref<64x200xf32, #tpu.memory_space<vmem>>, %arg10: memref<16xf32, #tpu.memory_space<vmem>>, %arg11: memref<16xf32, #tpu.memory_space<vmem>>) attributes {dimension_semantics = [#tpu.dimension_semantics<core_parallel>, #tpu.dimension_semantics<subcore_parallel>], iteration_bounds = array<i64: 2, 16>, scalar_prefetch = 0 : i64, scratch_operands = 5 : i64, tpu.core_type = #tpu.core_type<sc_vector_subcore>, window_params = [{transform_indices = #map}, {transform_indices = #map}, {transform_indices = #map}, {transform_indices = #map}, {transform_indices = #map}]} {
    %mul3A = arith.constant 2 : i32
    %mul3A_0 = arith.muli %arg1, %mul3A : i32
    %add3A = arith.addi %mul3A_0, %arg0 : i32
    %mul3A_1 = arith.constant 64 : i32
    %mul3A_2 = arith.muli %add3A, %mul3A_1 : i32
    %broadcast_in_dim3A = arith.constant 0.000000e+00 : f32
    %broadcast_in_dim3A_3 = vector.broadcast %broadcast_in_dim3A : f32 to vector<16xf32>
    %broadcast_in_dim3A_4 = arith.constant 0.000000e+00 : f32
    %broadcast_in_dim3A_5 = vector.broadcast %broadcast_in_dim3A_4 : f32 to vector<16xf32>
    %add3A_6 = arith.constant 0 : i32
    %add3A_7 = arith.addi %mul3A_2, %add3A_6 : i32
    "tpu.region"() ({
      %run_scoped3A = tpu.sem_alloc : memref<!tpu.dma_semaphore, #tpu.memory_space<semaphore_mem>>
      %dma_start3A = arith.constant 0 : i32
      %dma_start3A_20 = tpu.memref_slice %arg2[%add3A_7, %dma_start3A] : memref<2048x200xf32, #tpu.memory_space<hbm>> -> memref<64x200xf32, #tpu.memory_space<hbm>>
      %dma_start3A_21 = arith.constant 0 : i32
      %dma_start3A_22 = tpu.memref_slice %arg2[%add3A_7, %dma_start3A_21] : memref<2048x200xf32, #tpu.memory_space<hbm>> -> memref<64x200xf32, #tpu.memory_space<hbm>>
      tpu.enqueue_dma source(%dma_start3A_22 : memref<64x200xf32, #tpu.memory_space<hbm>>) target(%arg7 : memref<64x200xf32, #tpu.memory_space<vmem>>) target_semaphore(%run_scoped3A : memref<!tpu.dma_semaphore, #tpu.memory_space<semaphore_mem>>)
      %dma_wait3A = arith.constant 0 : i32
      %dma_wait3A_23 = tpu.memref_slice %arg2[%add3A_7, %dma_wait3A] : memref<2048x200xf32, #tpu.memory_space<hbm>> -> memref<64x200xf32, #tpu.memory_space<hbm>>
      %dma_wait3A_24 = arith.constant 0 : i32
      %dma_wait3A_25 = tpu.memref_slice %arg2[%add3A_7, %dma_wait3A_24] : memref<2048x200xf32, #tpu.memory_space<hbm>> -> memref<64x200xf32, #tpu.memory_space<hbm>>
      tpu.wait_dma2 semaphore(%run_scoped3A : memref<!tpu.dma_semaphore, #tpu.memory_space<semaphore_mem>>) src(%dma_wait3A_25 : memref<64x200xf32, #tpu.memory_space<hbm>>) dst(%arg7 : memref<64x200xf32, #tpu.memory_space<vmem>>)
      tpu.yield
    }) : () -> ()
    "tpu.region"() ({
      %run_scoped3A = tpu.sem_alloc : memref<!tpu.dma_semaphore, #tpu.memory_space<semaphore_mem>>
      %dma_start3A = arith.constant 0 : i32
      %dma_start3A_20 = tpu.memref_slice %arg3[%add3A_7, %dma_start3A] : memref<2048x200xf32, #tpu.memory_space<hbm>> -> memref<64x200xf32, #tpu.memory_space<hbm>>
      %dma_start3A_21 = arith.constant 0 : i32
      %dma_start3A_22 = tpu.memref_slice %arg3[%add3A_7, %dma_start3A_21] : memref<2048x200xf32, #tpu.memory_space<hbm>> -> memref<64x200xf32, #tpu.memory_space<hbm>>
      tpu.enqueue_dma source(%dma_start3A_22 : memref<64x200xf32, #tpu.memory_space<hbm>>) target(%arg8 : memref<64x200xf32, #tpu.memory_space<vmem>>) target_semaphore(%run_scoped3A : memref<!tpu.dma_semaphore, #tpu.memory_space<semaphore_mem>>)
      %dma_wait3A = arith.constant 0 : i32
      %dma_wait3A_23 = tpu.memref_slice %arg3[%add3A_7, %dma_wait3A] : memref<2048x200xf32, #tpu.memory_space<hbm>> -> memref<64x200xf32, #tpu.memory_space<hbm>>
      %dma_wait3A_24 = arith.constant 0 : i32
      %dma_wait3A_25 = tpu.memref_slice %arg3[%add3A_7, %dma_wait3A_24] : memref<2048x200xf32, #tpu.memory_space<hbm>> -> memref<64x200xf32, #tpu.memory_space<hbm>>
      tpu.wait_dma2 semaphore(%run_scoped3A : memref<!tpu.dma_semaphore, #tpu.memory_space<semaphore_mem>>) src(%dma_wait3A_25 : memref<64x200xf32, #tpu.memory_space<hbm>>) dst(%arg8 : memref<64x200xf32, #tpu.memory_space<vmem>>)
      tpu.yield
    }) : () -> ()
    "tpu.region"() ({
      %run_scoped3A = tpu.sem_alloc : memref<!tpu.dma_semaphore, #tpu.memory_space<semaphore_mem>>
      %dma_start3A = arith.constant 0 : i32
      %dma_start3A_20 = tpu.memref_slice %arg4[%add3A_7, %dma_start3A] : memref<2048x200xf32, #tpu.memory_space<hbm>> -> memref<64x200xf32, #tpu.memory_space<hbm>>
      %dma_start3A_21 = arith.constant 0 : i32
      %dma_start3A_22 = tpu.memref_slice %arg4[%add3A_7, %dma_start3A_21] : memref<2048x200xf32, #tpu.memory_space<hbm>> -> memref<64x200xf32, #tpu.memory_space<hbm>>
      tpu.enqueue_dma source(%dma_start3A_22 : memref<64x200xf32, #tpu.memory_space<hbm>>) target(%arg9 : memref<64x200xf32, #tpu.memory_space<vmem>>) target_semaphore(%run_scoped3A : memref<!tpu.dma_semaphore, #tpu.memory_space<semaphore_mem>>)
      %dma_wait3A = arith.constant 0 : i32
      %dma_wait3A_23 = tpu.memref_slice %arg4[%add3A_7, %dma_wait3A] : memref<2048x200xf32, #tpu.memory_space<hbm>> -> memref<64x200xf32, #tpu.memory_space<hbm>>
      %dma_wait3A_24 = arith.constant 0 : i32
      %dma_wait3A_25 = tpu.memref_slice %arg4[%add3A_7, %dma_wait3A_24] : memref<2048x200xf32, #tpu.memory_space<hbm>> -> memref<64x200xf32, #tpu.memory_space<hbm>>
      tpu.wait_dma2 semaphore(%run_scoped3A : memref<!tpu.dma_semaphore, #tpu.memory_space<semaphore_mem>>) src(%dma_wait3A_25 : memref<64x200xf32, #tpu.memory_space<hbm>>) dst(%arg9 : memref<64x200xf32, #tpu.memory_space<vmem>>)
      tpu.yield
    }) : () -> ()
    %scan3A = arith.constant 0 : i32
    %scan3A_8 = arith.constant 64 : i32
    %scan3A_9 = arith.addi %scan3A, %scan3A_8 : i32
    %scan3A_10 = arith.constant 1 : i32
    %scan3A_11:2 = scf.for %scan3A_20 = %scan3A to %scan3A_9 step %scan3A_10 iter_args(%scan3A_21 = %broadcast_in_dim3A_3, %scan3A_22 = %broadcast_in_dim3A_5) -> (vector<16xf32>, vector<16xf32>)  : i32 {
      %iota3A = tpu.iota {dimensions = array<i32: 0>} : vector<16xi32>
      %sub3A = arith.constant 8 : i32
      %sub3A_23 = vector.broadcast %sub3A : i32 to vector<16xi32>
      %sub3A_24 = arith.subi %iota3A, %sub3A_23 : vector<16xi32>
      %shift_right_logical3A = arith.constant 31 : i32
      %shift_right_logical3A_25 = vector.broadcast %shift_right_logical3A : i32 to vector<16xi32>
      %shift_right_logical3A_26 = arith.shrui %sub3A_24, %shift_right_logical3A_25 : vector<16xi32>
      %sub3A_27 = arith.constant 1 : i32
      %sub3A_28 = vector.broadcast %sub3A_27 : i32 to vector<16xi32>
      %sub3A_29 = arith.subi %sub3A_28, %shift_right_logical3A_26 : vector<16xi32>
      %convert_element_type3A = arith.sitofp %sub3A_29 : vector<16xi32> to vector<16xf32>
      %get3A = arith.index_cast %scan3A_20 : i32 to index
      %get3A_30 = arith.constant 0 : index
      %get3A_31 = tpu.vector_load %arg9[%get3A, %get3A_30] {strides = array<i32>} : memref<64x200xf32, #tpu.memory_space<vmem>>, vector<1x16xf32>,
      %get3A_32 = vector.shape_cast %get3A_31 : vector<1x16xf32> to vector<16xf32>
      %get3A_33 = arith.index_cast %scan3A_20 : i32 to index
      %get3A_34 = arith.constant 0 : index
      %get3A_35 = tpu.vector_load %arg7[%get3A_33, %get3A_34] {strides = array<i32>} : memref<64x200xf32, #tpu.memory_space<vmem>>, vector<1x16xf32>,
      %get3A_36 = vector.shape_cast %get3A_35 : vector<1x16xf32> to vector<16xf32>
      %get3A_37 = arith.index_cast %scan3A_20 : i32 to index
      %get3A_38 = arith.constant 0 : index
      %get3A_39 = tpu.vector_load %arg8[%get3A_37, %get3A_38] {strides = array<i32>} : memref<64x200xf32, #tpu.memory_space<vmem>>, vector<1x16xf32>,
      %get3A_40 = vector.shape_cast %get3A_39 : vector<1x16xf32> to vector<16xf32>
      %exp3A = math.exp %get3A_36 : vector<16xf32>
      %mul3A_41 = arith.mulf %get3A_40, %get3A_36 : vector<16xf32>
      %sub3A_42 = arith.subf %exp3A, %mul3A_41 : vector<16xf32>
      %mul3A_43 = arith.mulf %get3A_32, %sub3A_42 : vector<16xf32>
      %add3A_44 = arith.addf %scan3A_21, %mul3A_43 : vector<16xf32>
      %add3A_45 = arith.addf %scan3A_22, %get3A_32 : vector<16xf32>
      %get3A_46 = arith.index_cast %scan3A_20 : i32 to index
      %get3A_47 = arith.constant 16 : index
      %get3A_48 = tpu.vector_load %arg9[%get3A_46, %get3A_47] {strides = array<i32>} : memref<64x200xf32, #tpu.memory_space<vmem>>, vector<1x16xf32>,
      %get3A_49 = vector.shape_cast %get3A_48 : vector<1x16xf32> to vector<16xf32>
      %get3A_50 = arith.index_cast %scan3A_20 : i32 to index
      %get3A_51 = arith.constant 16 : index
      %get3A_52 = tpu.vector_load %arg7[%get3A_50, %get3A_51] {strides = array<i32>} : memref<64x200xf32, #tpu.memory_space<vmem>>, vector<1x16xf32>,
      %get3A_53 = vector.shape_cast %get3A_52 : vector<1x16xf32> to vector<16xf32>
      %get3A_54 = arith.index_cast %scan3A_20 : i32 to index
      %get3A_55 = arith.constant 16 : index
      %get3A_56 = tpu.vector_load %arg8[%get3A_54, %get3A_55] {strides = array<i32>} : memref<64x200xf32, #tpu.memory_space<vmem>>, vector<1x16xf32>,
      %get3A_57 = vector.shape_cast %get3A_56 : vector<1x16xf32> to vector<16xf32>
      %exp3A_58 = math.exp %get3A_53 : vector<16xf32>
      %mul3A_59 = arith.mulf %get3A_57, %get3A_53 : vector<16xf32>
      %sub3A_60 = arith.subf %exp3A_58, %mul3A_59 : vector<16xf32>
      %mul3A_61 = arith.mulf %get3A_49, %sub3A_60 : vector<16xf32>
      %add3A_62 = arith.addf %add3A_44, %mul3A_61 : vector<16xf32>
      %add3A_63 = arith.addf %add3A_45, %get3A_49 : vector<16xf32>
      %get3A_64 = arith.index_cast %scan3A_20 : i32 to index
      %get3A_65 = arith.constant 32 : index
      %get3A_66 = tpu.vector_load %arg9[%get3A_64, %get3A_65] {strides = array<i32>} : memref<64x200xf32, #tpu.memory_space<vmem>>, vector<1x16xf32>,
      %get3A_67 = vector.shape_cast %get3A_66 : vector<1x16xf32> to vector<16xf32>
      %get3A_68 = arith.index_cast %scan3A_20 : i32 to index
      %get3A_69 = arith.constant 32 : index
      %get3A_70 = tpu.vector_load %arg7[%get3A_68, %get3A_69] {strides = array<i32>} : memref<64x200xf32, #tpu.memory_space<vmem>>, vector<1x16xf32>,
      %get3A_71 = vector.shape_cast %get3A_70 : vector<1x16xf32> to vector<16xf32>
      %get3A_72 = arith.index_cast %scan3A_20 : i32 to index
      %get3A_73 = arith.constant 32 : index
      %get3A_74 = tpu.vector_load %arg8[%get3A_72, %get3A_73] {strides = array<i32>} : memref<64x200xf32, #tpu.memory_space<vmem>>, vector<1x16xf32>,
      %get3A_75 = vector.shape_cast %get3A_74 : vector<1x16xf32> to vector<16xf32>
      %exp3A_76 = math.exp %get3A_71 : vector<16xf32>
      %mul3A_77 = arith.mulf %get3A_75, %get3A_71 : vector<16xf32>
      %sub3A_78 = arith.subf %exp3A_76, %mul3A_77 : vector<16xf32>
      %mul3A_79 = arith.mulf %get3A_67, %sub3A_78 : vector<16xf32>
      %add3A_80 = arith.addf %add3A_62, %mul3A_79 : vector<16xf32>
      %add3A_81 = arith.addf %add3A_63, %get3A_67 : vector<16xf32>
      %get3A_82 = arith.index_cast %scan3A_20 : i32 to index
      %get3A_83 = arith.constant 48 : index
      %get3A_84 = tpu.vector_load %arg9[%get3A_82, %get3A_83] {strides = array<i32>} : memref<64x200xf32, #tpu.memory_space<vmem>>, vector<1x16xf32>,
      %get3A_85 = vector.shape_cast %get3A_84 : vector<1x16xf32> to vector<16xf32>
      %get3A_86 = arith.index_cast %scan3A_20 : i32 to index
      %get3A_87 = arith.constant 48 : index
      %get3A_88 = tpu.vector_load %arg7[%get3A_86, %get3A_87] {strides = array<i32>} : memref<64x200xf32, #tpu.memory_space<vmem>>, vector<1x16xf32>,
      %get3A_89 = vector.shape_cast %get3A_88 : vector<1x16xf32> to vector<16xf32>
      %get3A_90 = arith.index_cast %scan3A_20 : i32 to index
      %get3A_91 = arith.constant 48 : index
      %get3A_92 = tpu.vector_load %arg8[%get3A_90, %get3A_91] {strides = array<i32>} : memref<64x200xf32, #tpu.memory_space<vmem>>, vector<1x16xf32>,
      %get3A_93 = vector.shape_cast %get3A_92 : vector<1x16xf32> to vector<16xf32>
      %exp3A_94 = math.exp %get3A_89 : vector<16xf32>
      %mul3A_95 = arith.mulf %get3A_93, %get3A_89 : vector<16xf32>
      %sub3A_96 = arith.subf %exp3A_94, %mul3A_95 : vector<16xf32>
      %mul3A_97 = arith.mulf %get3A_85, %sub3A_96 : vector<16xf32>
      %add3A_98 = arith.addf %add3A_80, %mul3A_97 : vector<16xf32>
      %add3A_99 = arith.addf %add3A_81, %get3A_85 : vector<16xf32>
      %get3A_100 = arith.index_cast %scan3A_20 : i32 to index
      %get3A_101 = arith.constant 64 : index
      %get3A_102 = tpu.vector_load %arg9[%get3A_100, %get3A_101] {strides = array<i32>} : memref<64x200xf32, #tpu.memory_space<vmem>>, vector<1x16xf32>,
      %get3A_103 = vector.shape_cast %get3A_102 : vector<1x16xf32> to vector<16xf32>
      %get3A_104 = arith.index_cast %scan3A_20 : i32 to index
      %get3A_105 = arith.constant 64 : index
      %get3A_106 = tpu.vector_load %arg7[%get3A_104, %get3A_105] {strides = array<i32>} : memref<64x200xf32, #tpu.memory_space<vmem>>, vector<1x16xf32>,
      %get3A_107 = vector.shape_cast %get3A_106 : vector<1x16xf32> to vector<16xf32>
      %get3A_108 = arith.index_cast %scan3A_20 : i32 to index
      %get3A_109 = arith.constant 64 : index
      %get3A_110 = tpu.vector_load %arg8[%get3A_108, %get3A_109] {strides = array<i32>} : memref<64x200xf32, #tpu.memory_space<vmem>>, vector<1x16xf32>,
      %get3A_111 = vector.shape_cast %get3A_110 : vector<1x16xf32> to vector<16xf32>
      %exp3A_112 = math.exp %get3A_107 : vector<16xf32>
      %mul3A_113 = arith.mulf %get3A_111, %get3A_107 : vector<16xf32>
      %sub3A_114 = arith.subf %exp3A_112, %mul3A_113 : vector<16xf32>
      %mul3A_115 = arith.mulf %get3A_103, %sub3A_114 : vector<16xf32>
      %add3A_116 = arith.addf %add3A_98, %mul3A_115 : vector<16xf32>
      %add3A_117 = arith.addf %add3A_99, %get3A_103 : vector<16xf32>
      %get3A_118 = arith.index_cast %scan3A_20 : i32 to index
      %get3A_119 = arith.constant 80 : index
      %get3A_120 = tpu.vector_load %arg9[%get3A_118, %get3A_119] {strides = array<i32>} : memref<64x200xf32, #tpu.memory_space<vmem>>, vector<1x16xf32>,
      %get3A_121 = vector.shape_cast %get3A_120 : vector<1x16xf32> to vector<16xf32>
      %get3A_122 = arith.index_cast %scan3A_20 : i32 to index
      %get3A_123 = arith.constant 80 : index
      %get3A_124 = tpu.vector_load %arg7[%get3A_122, %get3A_123] {strides = array<i32>} : memref<64x200xf32, #tpu.memory_space<vmem>>, vector<1x16xf32>,
      %get3A_125 = vector.shape_cast %get3A_124 : vector<1x16xf32> to vector<16xf32>
      %get3A_126 = arith.index_cast %scan3A_20 : i32 to index
      %get3A_127 = arith.constant 80 : index
      %get3A_128 = tpu.vector_load %arg8[%get3A_126, %get3A_127] {strides = array<i32>} : memref<64x200xf32, #tpu.memory_space<vmem>>, vector<1x16xf32>,
      %get3A_129 = vector.shape_cast %get3A_128 : vector<1x16xf32> to vector<16xf32>
      %exp3A_130 = math.exp %get3A_125 : vector<16xf32>
      %mul3A_131 = arith.mulf %get3A_129, %get3A_125 : vector<16xf32>
      %sub3A_132 = arith.subf %exp3A_130, %mul3A_131 : vector<16xf32>
      %mul3A_133 = arith.mulf %get3A_121, %sub3A_132 : vector<16xf32>
      %add3A_134 = arith.addf %add3A_116, %mul3A_133 : vector<16xf32>
      %add3A_135 = arith.addf %add3A_117, %get3A_121 : vector<16xf32>
      %get3A_136 = arith.index_cast %scan3A_20 : i32 to index
      %get3A_137 = arith.constant 96 : index
      %get3A_138 = tpu.vector_load %arg9[%get3A_136, %get3A_137] {strides = array<i32>} : memref<64x200xf32, #tpu.memory_space<vmem>>, vector<1x16xf32>,
      %get3A_139 = vector.shape_cast %get3A_138 : vector<1x16xf32> to vector<16xf32>
      %get3A_140 = arith.index_cast %scan3A_20 : i32 to index
      %get3A_141 = arith.constant 96 : index
      %get3A_142 = tpu.vector_load %arg7[%get3A_140, %get3A_141] {strides = array<i32>} : memref<64x200xf32, #tpu.memory_space<vmem>>, vector<1x16xf32>,
      %get3A_143 = vector.shape_cast %get3A_142 : vector<1x16xf32> to vector<16xf32>
      %get3A_144 = arith.index_cast %scan3A_20 : i32 to index
      %get3A_145 = arith.constant 96 : index
      %get3A_146 = tpu.vector_load %arg8[%get3A_144, %get3A_145] {strides = array<i32>} : memref<64x200xf32, #tpu.memory_space<vmem>>, vector<1x16xf32>,
      %get3A_147 = vector.shape_cast %get3A_146 : vector<1x16xf32> to vector<16xf32>
      %exp3A_148 = math.exp %get3A_143 : vector<16xf32>
      %mul3A_149 = arith.mulf %get3A_147, %get3A_143 : vector<16xf32>
      %sub3A_150 = arith.subf %exp3A_148, %mul3A_149 : vector<16xf32>
      %mul3A_151 = arith.mulf %get3A_139, %sub3A_150 : vector<16xf32>
      %add3A_152 = arith.addf %add3A_134, %mul3A_151 : vector<16xf32>
      %add3A_153 = arith.addf %add3A_135, %get3A_139 : vector<16xf32>
      %get3A_154 = arith.index_cast %scan3A_20 : i32 to index
      %get3A_155 = arith.constant 112 : index
      %get3A_156 = tpu.vector_load %arg9[%get3A_154, %get3A_155] {strides = array<i32>} : memref<64x200xf32, #tpu.memory_space<vmem>>, vector<1x16xf32>,
      %get3A_157 = vector.shape_cast %get3A_156 : vector<1x16xf32> to vector<16xf32>
      %get3A_158 = arith.index_cast %scan3A_20 : i32 to index
      %get3A_159 = arith.constant 112 : index
      %get3A_160 = tpu.vector_load %arg7[%get3A_158, %get3A_159] {strides = array<i32>} : memref<64x200xf32, #tpu.memory_space<vmem>>, vector<1x16xf32>,
      %get3A_161 = vector.shape_cast %get3A_160 : vector<1x16xf32> to vector<16xf32>
      %get3A_162 = arith.index_cast %scan3A_20 : i32 to index
      %get3A_163 = arith.constant 112 : index
      %get3A_164 = tpu.vector_load %arg8[%get3A_162, %get3A_163] {strides = array<i32>} : memref<64x200xf32, #tpu.memory_space<vmem>>, vector<1x16xf32>,
      %get3A_165 = vector.shape_cast %get3A_164 : vector<1x16xf32> to vector<16xf32>
      %exp3A_166 = math.exp %get3A_161 : vector<16xf32>
      %mul3A_167 = arith.mulf %get3A_165, %get3A_161 : vector<16xf32>
      %sub3A_168 = arith.subf %exp3A_166, %mul3A_167 : vector<16xf32>
      %mul3A_169 = arith.mulf %get3A_157, %sub3A_168 : vector<16xf32>
      %add3A_170 = arith.addf %add3A_152, %mul3A_169 : vector<16xf32>
      %add3A_171 = arith.addf %add3A_153, %get3A_157 : vector<16xf32>
      %get3A_172 = arith.index_cast %scan3A_20 : i32 to index
      %get3A_173 = arith.constant 128 : index
      %get3A_174 = tpu.vector_load %arg9[%get3A_172, %get3A_173] {strides = array<i32>} : memref<64x200xf32, #tpu.memory_space<vmem>>, vector<1x16xf32>,
      %get3A_175 = vector.shape_cast %get3A_174 : vector<1x16xf32> to vector<16xf32>
      %get3A_176 = arith.index_cast %scan3A_20 : i32 to index
      %get3A_177 = arith.constant 128 : index
      %get3A_178 = tpu.vector_load %arg7[%get3A_176, %get3A_177] {strides = array<i32>} : memref<64x200xf32, #tpu.memory_space<vmem>>, vector<1x16xf32>,
      %get3A_179 = vector.shape_cast %get3A_178 : vector<1x16xf32> to vector<16xf32>
      %get3A_180 = arith.index_cast %scan3A_20 : i32 to index
      %get3A_181 = arith.constant 128 : index
      %get3A_182 = tpu.vector_load %arg8[%get3A_180, %get3A_181] {strides = array<i32>} : memref<64x200xf32, #tpu.memory_space<vmem>>, vector<1x16xf32>,
      %get3A_183 = vector.shape_cast %get3A_182 : vector<1x16xf32> to vector<16xf32>
      %exp3A_184 = math.exp %get3A_179 : vector<16xf32>
      %mul3A_185 = arith.mulf %get3A_183, %get3A_179 : vector<16xf32>
      %sub3A_186 = arith.subf %exp3A_184, %mul3A_185 : vector<16xf32>
      %mul3A_187 = arith.mulf %get3A_175, %sub3A_186 : vector<16xf32>
      %add3A_188 = arith.addf %add3A_170, %mul3A_187 : vector<16xf32>
      %add3A_189 = arith.addf %add3A_171, %get3A_175 : vector<16xf32>
      %get3A_190 = arith.index_cast %scan3A_20 : i32 to index
      %get3A_191 = arith.constant 144 : index
      %get3A_192 = tpu.vector_load %arg9[%get3A_190, %get3A_191] {strides = array<i32>} : memref<64x200xf32, #tpu.memory_space<vmem>>, vector<1x16xf32>,
      %get3A_193 = vector.shape_cast %get3A_192 : vector<1x16xf32> to vector<16xf32>
      %get3A_194 = arith.index_cast %scan3A_20 : i32 to index
      %get3A_195 = arith.constant 144 : index
      %get3A_196 = tpu.vector_load %arg7[%get3A_194, %get3A_195] {strides = array<i32>} : memref<64x200xf32, #tpu.memory_space<vmem>>, vector<1x16xf32>,
      %get3A_197 = vector.shape_cast %get3A_196 : vector<1x16xf32> to vector<16xf32>
      %get3A_198 = arith.index_cast %scan3A_20 : i32 to index
      %get3A_199 = arith.constant 144 : index
      %get3A_200 = tpu.vector_load %arg8[%get3A_198, %get3A_199] {strides = array<i32>} : memref<64x200xf32, #tpu.memory_space<vmem>>, vector<1x16xf32>,
      %get3A_201 = vector.shape_cast %get3A_200 : vector<1x16xf32> to vector<16xf32>
      %exp3A_202 = math.exp %get3A_197 : vector<16xf32>
      %mul3A_203 = arith.mulf %get3A_201, %get3A_197 : vector<16xf32>
      %sub3A_204 = arith.subf %exp3A_202, %mul3A_203 : vector<16xf32>
      %mul3A_205 = arith.mulf %get3A_193, %sub3A_204 : vector<16xf32>
      %add3A_206 = arith.addf %add3A_188, %mul3A_205 : vector<16xf32>
      %add3A_207 = arith.addf %add3A_189, %get3A_193 : vector<16xf32>
      %get3A_208 = arith.index_cast %scan3A_20 : i32 to index
      %get3A_209 = arith.constant 160 : index
      %get3A_210 = tpu.vector_load %arg9[%get3A_208, %get3A_209] {strides = array<i32>} : memref<64x200xf32, #tpu.memory_space<vmem>>, vector<1x16xf32>,
      %get3A_211 = vector.shape_cast %get3A_210 : vector<1x16xf32> to vector<16xf32>
      %get3A_212 = arith.index_cast %scan3A_20 : i32 to index
      %get3A_213 = arith.constant 160 : index
      %get3A_214 = tpu.vector_load %arg7[%get3A_212, %get3A_213] {strides = array<i32>} : memref<64x200xf32, #tpu.memory_space<vmem>>, vector<1x16xf32>,
      %get3A_215 = vector.shape_cast %get3A_214 : vector<1x16xf32> to vector<16xf32>
      %get3A_216 = arith.index_cast %scan3A_20 : i32 to index
      %get3A_217 = arith.constant 160 : index
      %get3A_218 = tpu.vector_load %arg8[%get3A_216, %get3A_217] {strides = array<i32>} : memref<64x200xf32, #tpu.memory_space<vmem>>, vector<1x16xf32>,
      %get3A_219 = vector.shape_cast %get3A_218 : vector<1x16xf32> to vector<16xf32>
      %exp3A_220 = math.exp %get3A_215 : vector<16xf32>
      %mul3A_221 = arith.mulf %get3A_219, %get3A_215 : vector<16xf32>
      %sub3A_222 = arith.subf %exp3A_220, %mul3A_221 : vector<16xf32>
      %mul3A_223 = arith.mulf %get3A_211, %sub3A_222 : vector<16xf32>
      %add3A_224 = arith.addf %add3A_206, %mul3A_223 : vector<16xf32>
      %add3A_225 = arith.addf %add3A_207, %get3A_211 : vector<16xf32>
      %get3A_226 = arith.index_cast %scan3A_20 : i32 to index
      %get3A_227 = arith.constant 176 : index
      %get3A_228 = tpu.vector_load %arg9[%get3A_226, %get3A_227] {strides = array<i32>} : memref<64x200xf32, #tpu.memory_space<vmem>>, vector<1x16xf32>,
      %get3A_229 = vector.shape_cast %get3A_228 : vector<1x16xf32> to vector<16xf32>
      %get3A_230 = arith.index_cast %scan3A_20 : i32 to index
      %get3A_231 = arith.constant 176 : index
      %get3A_232 = tpu.vector_load %arg7[%get3A_230, %get3A_231] {strides = array<i32>} : memref<64x200xf32, #tpu.memory_space<vmem>>, vector<1x16xf32>,
      %get3A_233 = vector.shape_cast %get3A_232 : vector<1x16xf32> to vector<16xf32>
      %get3A_234 = arith.index_cast %scan3A_20 : i32 to index
      %get3A_235 = arith.constant 176 : index
      %get3A_236 = tpu.vector_load %arg8[%get3A_234, %get3A_235] {strides = array<i32>} : memref<64x200xf32, #tpu.memory_space<vmem>>, vector<1x16xf32>,
      %get3A_237 = vector.shape_cast %get3A_236 : vector<1x16xf32> to vector<16xf32>
      %exp3A_238 = math.exp %get3A_233 : vector<16xf32>
      %mul3A_239 = arith.mulf %get3A_237, %get3A_233 : vector<16xf32>
      %sub3A_240 = arith.subf %exp3A_238, %mul3A_239 : vector<16xf32>
      %mul3A_241 = arith.mulf %get3A_229, %sub3A_240 : vector<16xf32>
      %add3A_242 = arith.addf %add3A_224, %mul3A_241 : vector<16xf32>
      %add3A_243 = arith.addf %add3A_225, %get3A_229 : vector<16xf32>
      %get3A_244 = arith.index_cast %scan3A_20 : i32 to index
      %get3A_245 = arith.constant 184 : index
      %get3A_246 = tpu.vector_load %arg9[%get3A_244, %get3A_245] {strides = array<i32>} : memref<64x200xf32, #tpu.memory_space<vmem>>, vector<1x16xf32>,
      %get3A_247 = vector.shape_cast %get3A_246 : vector<1x16xf32> to vector<16xf32>
      %mul3A_248 = arith.mulf %get3A_247, %convert_element_type3A : vector<16xf32>
      %get3A_249 = arith.index_cast %scan3A_20 : i32 to index
      %get3A_250 = arith.constant 184 : index
      %get3A_251 = tpu.vector_load %arg7[%get3A_249, %get3A_250] {strides = array<i32>} : memref<64x200xf32, #tpu.memory_space<vmem>>, vector<1x16xf32>,
      %get3A_252 = vector.shape_cast %get3A_251 : vector<1x16xf32> to vector<16xf32>
      %get3A_253 = arith.index_cast %scan3A_20 : i32 to index
      %get3A_254 = arith.constant 184 : index
      %get3A_255 = tpu.vector_load %arg8[%get3A_253, %get3A_254] {strides = array<i32>} : memref<64x200xf32, #tpu.memory_space<vmem>>, vector<1x16xf32>,
      %get3A_256 = vector.shape_cast %get3A_255 : vector<1x16xf32> to vector<16xf32>
      %exp3A_257 = math.exp %get3A_252 : vector<16xf32>
      %mul3A_258 = arith.mulf %get3A_256, %get3A_252 : vector<16xf32>
      %sub3A_259 = arith.subf %exp3A_257, %mul3A_258 : vector<16xf32>
      %mul3A_260 = arith.mulf %mul3A_248, %sub3A_259 : vector<16xf32>
      %add3A_261 = arith.addf %add3A_242, %mul3A_260 : vector<16xf32>
      %add3A_262 = arith.addf %add3A_243, %mul3A_248 : vector<16xf32>
      scf.yield %add3A_261, %add3A_262 : vector<16xf32>, vector<16xf32>
    }
    %scan3A_12 = arith.constant 64 : i32
    %swap3A = arith.constant 0 : index
    %swap3A_13 = tpu.vector_load %arg10[%swap3A] {strides = array<i32>} : memref<16xf32, #tpu.memory_space<vmem>>, vector<16xf32>,
    %swap3A_14 = vector.shape_cast %swap3A_13 : vector<16xf32> to vector<16xf32>
    %swap3A_15 = vector.shape_cast %scan3A_11#0 : vector<16xf32> to vector<16xf32>
    tpu.vector_store %arg10[%swap3A], %swap3A_15 {strides = array<i32>} : memref<16xf32, #tpu.memory_space<vmem>>, vector<16xf32>,
    %swap3A_16 = arith.constant 0 : index
    %swap3A_17 = tpu.vector_load %arg11[%swap3A_16] {strides = array<i32>} : memref<16xf32, #tpu.memory_space<vmem>>, vector<16xf32>,
    %swap3A_18 = vector.shape_cast %swap3A_17 : vector<16xf32> to vector<16xf32>
    %swap3A_19 = vector.shape_cast %scan3A_11#1 : vector<16xf32> to vector<16xf32>
    tpu.vector_store %arg11[%swap3A_16], %swap3A_19 {strides = array<i32>} : memref<16xf32, #tpu.memory_space<vmem>>, vector<16xf32>,
    "tpu.region"() ({
      %run_scoped3A = tpu.sem_alloc : memref<!tpu.dma_semaphore, #tpu.memory_space<semaphore_mem>>
      %dma_start3A = arith.constant 0 : i32
      %dma_start3A_20 = tpu.memref_slice %arg5[%add3A, %dma_start3A] : memref<32x16xf32, #tpu.memory_space<hbm>> -> memref<1x16xf32, #tpu.memory_space<hbm>>
      %dma_start3A_21 = tpu.memref_squeeze %dma_start3A_20 : memref<1x16xf32, #tpu.memory_space<hbm>> -> memref<16xf32, #tpu.memory_space<hbm>>
      %dma_start3A_22 = arith.constant 0 : i32
      %dma_start3A_23 = tpu.memref_slice %arg5[%add3A, %dma_start3A_22] : memref<32x16xf32, #tpu.memory_space<hbm>> -> memref<1x16xf32, #tpu.memory_space<hbm>>
      %dma_start3A_24 = tpu.memref_squeeze %dma_start3A_23 : memref<1x16xf32, #tpu.memory_space<hbm>> -> memref<16xf32, #tpu.memory_space<hbm>>
      tpu.enqueue_dma source(%arg10 : memref<16xf32, #tpu.memory_space<vmem>>) target(%dma_start3A_24 : memref<16xf32, #tpu.memory_space<hbm>>) target_semaphore(%run_scoped3A : memref<!tpu.dma_semaphore, #tpu.memory_space<semaphore_mem>>)
      %dma_wait3A = arith.constant 0 : i32
      %dma_wait3A_25 = tpu.memref_slice %arg5[%add3A, %dma_wait3A] : memref<32x16xf32, #tpu.memory_space<hbm>> -> memref<1x16xf32, #tpu.memory_space<hbm>>
      %dma_wait3A_26 = tpu.memref_squeeze %dma_wait3A_25 : memref<1x16xf32, #tpu.memory_space<hbm>> -> memref<16xf32, #tpu.memory_space<hbm>>
      %dma_wait3A_27 = arith.constant 0 : i32
      %dma_wait3A_28 = tpu.memref_slice %arg5[%add3A, %dma_wait3A_27] : memref<32x16xf32, #tpu.memory_space<hbm>> -> memref<1x16xf32, #tpu.memory_space<hbm>>
      %dma_wait3A_29 = tpu.memref_squeeze %dma_wait3A_28 : memref<1x16xf32, #tpu.memory_space<hbm>> -> memref<16xf32, #tpu.memory_space<hbm>>
      tpu.wait_dma2 semaphore(%run_scoped3A : memref<!tpu.dma_semaphore, #tpu.memory_space<semaphore_mem>>) src(%arg10 : memref<16xf32, #tpu.memory_space<vmem>>) dst(%dma_wait3A_29 : memref<16xf32, #tpu.memory_space<hbm>>)
      tpu.yield
    }) : () -> ()
    "tpu.region"() ({
      %run_scoped3A = tpu.sem_alloc : memref<!tpu.dma_semaphore, #tpu.memory_space<semaphore_mem>>
      %dma_start3A = arith.constant 0 : i32
      %dma_start3A_20 = tpu.memref_slice %arg6[%add3A, %dma_start3A] : memref<32x16xf32, #tpu.memory_space<hbm>> -> memref<1x16xf32, #tpu.memory_space<hbm>>
      %dma_start3A_21 = tpu.memref_squeeze %dma_start3A_20 : memref<1x16xf32, #tpu.memory_space<hbm>> -> memref<16xf32, #tpu.memory_space<hbm>>
      %dma_start3A_22 = arith.constant 0 : i32
      %dma_start3A_23 = tpu.memref_slice %arg6[%add3A, %dma_start3A_22] : memref<32x16xf32, #tpu.memory_space<hbm>> -> memref<1x16xf32, #tpu.memory_space<hbm>>
      %dma_start3A_24 = tpu.memref_squeeze %dma_start3A_23 : memref<1x16xf32, #tpu.memory_space<hbm>> -> memref<16xf32, #tpu.memory_space<hbm>>
      tpu.enqueue_dma source(%arg11 : memref<16xf32, #tpu.memory_space<vmem>>) target(%dma_start3A_24 : memref<16xf32, #tpu.memory_space<hbm>>) target_semaphore(%run_scoped3A : memref<!tpu.dma_semaphore, #tpu.memory_space<semaphore_mem>>)
      %dma_wait3A = arith.constant 0 : i32
      %dma_wait3A_25 = tpu.memref_slice %arg6[%add3A, %dma_wait3A] : memref<32x16xf32, #tpu.memory_space<hbm>> -> memref<1x16xf32, #tpu.memory_space<hbm>>
      %dma_wait3A_26 = tpu.memref_squeeze %dma_wait3A_25 : memref<1x16xf32, #tpu.memory_space<hbm>> -> memref<16xf32, #tpu.memory_space<hbm>>
      %dma_wait3A_27 = arith.constant 0 : i32
      %dma_wait3A_28 = tpu.memref_slice %arg6[%add3A, %dma_wait3A_27] : memref<32x16xf32, #tpu.memory_space<hbm>> -> memref<1x16xf32, #tpu.memory_space<hbm>>
      %dma_wait3A_29 = tpu.memref_squeeze %dma_wait3A_28 : memref<1x16xf32, #tpu.memory_space<hbm>> -> memref<16xf32, #tpu.memory_space<hbm>>
      tpu.wait_dma2 semaphore(%run_scoped3A : memref<!tpu.dma_semaphore, #tpu.memory_space<semaphore_mem>>) src(%arg11 : memref<16xf32, #tpu.memory_space<vmem>>) dst(%dma_wait3A_29 : memref<16xf32, #tpu.memory_space<hbm>>)
      tpu.yield
    }) : () -> ()
    return
  }
}

module attributes {stable_mosaic.version = 14 : i64} {
  func.func @_tc_body(%arg0: i32, %arg1: memref<2048x200xf32, #tpu.memory_space<vmem>>, %arg2: memref<2048x200xf32, #tpu.memory_space<vmem>>, %arg3: memref<2048x200xi32, #tpu.memory_space<vmem>>, %arg4: memref<1x2xf32, #tpu.memory_space<smem>>, %arg5: memref<2xf32, #tpu.memory_space<smem>>) attributes {dimension_semantics = [#tpu.dimension_semantics<arbitrary>], iteration_bounds = array<i64: 7>, scalar_prefetch = 0 : i64, scratch_operands = 1 : i64, tpu.core_type = #tpu.core_type<tc>, window_params = [{transform_indices = @transform_0, window_bounds = array<i64: 2048, 200>}, {transform_indices = @transform_1, window_bounds = array<i64: 2048, 200>}, {transform_indices = @transform_2, window_bounds = array<i64: 2048, 200>}, {transform_indices = @transform_3, window_bounds = array<i64: 1, 2>}]} {
    %eq3A = arith.constant 0 : i32
    %eq3A_0 = arith.cmpi eq, %arg0, %eq3A : i32
    %convert_element_type3A = arith.extui %eq3A_0 : i1 to i32
    %cond3A = arith.constant 0 : i32
    %cond3A_1 = arith.cmpi ne, %convert_element_type3A, %cond3A : i32
    scf.if %cond3A_1 {
      %swap3A_36 = arith.constant 0.000000e+00 : f32
      %swap3A_37 = arith.constant 0 : index
      %swap3A_38 = memref.load %arg5[%swap3A_37] : memref<2xf32, #tpu.memory_space<smem>>
      memref.store %swap3A_36, %arg5[%swap3A_37] : memref<2xf32, #tpu.memory_space<smem>>
      %swap3A_39 = arith.constant 0.000000e+00 : f32
      %swap3A_40 = arith.constant 1 : index
      %swap3A_41 = memref.load %arg5[%swap3A_40] : memref<2xf32, #tpu.memory_space<smem>>
      memref.store %swap3A_39, %arg5[%swap3A_40] : memref<2xf32, #tpu.memory_space<smem>>
    } else {
    }
    %get3A = arith.constant 0 : index
    %get3A_2 = arith.constant 0 : index
    %get3A_3 = vector.load %arg1[%get3A, %get3A_2] : memref<2048x200xf32, #tpu.memory_space<vmem>>, vector<2048x200xf32>
    %get3A_4 = arith.constant 0 : index
    %get3A_5 = arith.constant 0 : index
    %get3A_6 = vector.load %arg2[%get3A_4, %get3A_5] : memref<2048x200xf32, #tpu.memory_space<vmem>>, vector<2048x200xf32>
    %get3A_7 = arith.constant 0 : index
    %get3A_8 = arith.constant 0 : index
    %get3A_9 = vector.load %arg3[%get3A_7, %get3A_8] : memref<2048x200xi32, #tpu.memory_space<vmem>>, vector<2048x200xi32>
    %get3A_10 = arith.constant dense<0> : vector<2048x200xi32>
    %get3A_11 = arith.cmpi ne, %get3A_9, %get3A_10 : vector<2048x200xi32>
    %exp3A = math.exp %get3A_3 : vector<2048x200xf32>
    %mul3A = arith.mulf %get3A_6, %get3A_3 : vector<2048x200xf32>
    %sub3A = arith.subf %exp3A, %mul3A : vector<2048x200xf32>
    %get3A_12 = arith.constant 0 : index
    %get3A_13 = memref.load %arg5[%get3A_12] : memref<2xf32, #tpu.memory_space<smem>>
    %jit3A = arith.constant 0.000000e+00 : f32
    %broadcast_in_dim3A = vector.broadcast %jit3A : f32 to vector<2048x200xf32>
    %select_n3A = arith.select %get3A_11, %sub3A, %broadcast_in_dim3A : vector<2048x200xi1>, vector<2048x200xf32>
    %reduce_sum3A = vector.shape_cast %select_n3A : vector<2048x200xf32> to vector<1x2048x200xf32>
    %reduce_sum3A_14 = arith.constant dense<0.000000e+00> : vector<1xf32>
    %reduce_sum3A_15 = vector.multi_reduction <add>, %reduce_sum3A, %reduce_sum3A_14 [1, 2] : vector<1x2048x200xf32> to vector<1xf32>
    %reduce_sum3A_16 = vector.shape_cast %reduce_sum3A_15 : vector<1xf32> to vector<1x1x1xf32>
    %reduce_sum3A_17 = vector.extract %reduce_sum3A_16[0, 0, 0] : f32 from vector<1x1x1xf32>
    %add3A = arith.addf %get3A_13, %reduce_sum3A_17 : f32
    %swap3A = arith.constant 0 : index
    %swap3A_18 = memref.load %arg5[%swap3A] : memref<2xf32, #tpu.memory_space<smem>>
    memref.store %add3A, %arg5[%swap3A] : memref<2xf32, #tpu.memory_space<smem>>
    %get3A_19 = arith.constant 1 : index
    %get3A_20 = memref.load %arg5[%get3A_19] : memref<2xf32, #tpu.memory_space<smem>>
    %convert_element_type3A_21 = arith.extui %get3A_11 : vector<2048x200xi1> to vector<2048x200xi32>
    %convert_element_type3A_22 = arith.sitofp %convert_element_type3A_21 : vector<2048x200xi32> to vector<2048x200xf32>
    %reduce_sum3A_23 = vector.shape_cast %convert_element_type3A_22 : vector<2048x200xf32> to vector<1x2048x200xf32>
    %reduce_sum3A_24 = arith.constant dense<0.000000e+00> : vector<1xf32>
    %reduce_sum3A_25 = vector.multi_reduction <add>, %reduce_sum3A_23, %reduce_sum3A_24 [1, 2] : vector<1x2048x200xf32> to vector<1xf32>
    %reduce_sum3A_26 = vector.shape_cast %reduce_sum3A_25 : vector<1xf32> to vector<1x1x1xf32>
    %reduce_sum3A_27 = vector.extract %reduce_sum3A_26[0, 0, 0] : f32 from vector<1x1x1xf32>
    %add3A_28 = arith.addf %get3A_20, %reduce_sum3A_27 : f32
    %swap3A_29 = arith.constant 1 : index
    %swap3A_30 = memref.load %arg5[%swap3A_29] : memref<2xf32, #tpu.memory_space<smem>>
    memref.store %add3A_28, %arg5[%swap3A_29] : memref<2xf32, #tpu.memory_space<smem>>
    %eq3A_31 = arith.constant 6 : i32
    %eq3A_32 = arith.cmpi eq, %arg0, %eq3A_31 : i32
    %convert_element_type3A_33 = arith.extui %eq3A_32 : i1 to i32
    %cond3A_34 = arith.constant 0 : i32
    %cond3A_35 = arith.cmpi ne, %convert_element_type3A_33, %cond3A_34 : i32
    scf.if %cond3A_35 {
      %get3A_36 = arith.constant 0 : index
      %get3A_37 = memref.load %arg5[%get3A_36] : memref<2xf32, #tpu.memory_space<smem>>
      %swap3A_38 = arith.constant 0 : index
      %swap3A_39 = arith.constant 0 : index
      %swap3A_40 = memref.load %arg4[%swap3A_38, %swap3A_39] : memref<1x2xf32, #tpu.memory_space<smem>>
      memref.store %get3A_37, %arg4[%swap3A_38, %swap3A_39] : memref<1x2xf32, #tpu.memory_space<smem>>
      %get3A_41 = arith.constant 1 : index
      %get3A_42 = memref.load %arg5[%get3A_41] : memref<2xf32, #tpu.memory_space<smem>>
      %swap3A_43 = arith.constant 0 : index
      %swap3A_44 = arith.constant 1 : index
      %swap3A_45 = memref.load %arg4[%swap3A_43, %swap3A_44] : memref<1x2xf32, #tpu.memory_space<smem>>
      memref.store %get3A_42, %arg4[%swap3A_43, %swap3A_44] : memref<1x2xf32, #tpu.memory_space<smem>>
    } else {
    }
    return
  }
  func.func @transform_0(%arg0: i32) -> (i32, i32) {
    %c0_i32 = arith.constant 0 : i32
    %c0_i32_0 = arith.constant 0 : i32
    return %arg0, %c0_i32 : i32, i32
  }
  func.func @transform_1(%arg0: i32) -> (i32, i32) {
    %c0_i32 = arith.constant 0 : i32
    %c0_i32_0 = arith.constant 0 : i32
    return %arg0, %c0_i32 : i32, i32
  }
  func.func @transform_2(%arg0: i32) -> (i32, i32) {
    %c0_i32 = arith.constant 0 : i32
    %c0_i32_0 = arith.constant 0 : i32
    return %arg0, %c0_i32 : i32, i32
  }
  func.func @transform_3(%arg0: i32) -> (i32, i32) {
    %c0_i32 = arith.constant 0 : i32
    %c0_i32_0 = arith.constant 0 : i32
    %c0_i32_1 = arith.constant 0 : i32
    return %c0_i32, %c0_i32_0 : i32, i32
  }
}

</mosaic_0001>

<sc_bundles>
// kernel: kernel.4.cloned.1.call-start
scs
__scs_entry_jumppad:
0x0: {  	(pc) =	sbr.rel $0x88, $3  }
0x1: {  	(tag) =	ssettag $0x0;
	lr =	simm.s32 $0x1  }
0x2: {  	[smem:$0x3F9E] =	sst lr;
	_ =	strace $0xD0000000  }
0x3: {  	_ = 	snop  }
0x4: {  	_ = 	snop  }
0x5: {  	_ = 	snop  }
0x6: {  	_ = 	snop  }
0x7: {  	_ = 	snop  }
__scs_overlays_trampoline_lowered:
0x8: {  	[smem:$0x3FAD] =	sst s0  }
0x9: {  	[smem:$0x3FAE] =	sst s1  }
0xa: {  	[smem:$0x3FAF] =	sst s2  }
0xb: {  	[smem:$0x3FB0] =	sst s3  }
0xc: {  	[smem:$0x3FB1] =	sst s4  }
0xd: {  	[smem:$0x3FB2] =	sst s5  }
0xe: {  	[smem:$0x3FB3] =	sst s6  }
0xf: {  	[smem:$0x3FB4] =	sst s7  }
0x10: {  	[smem:$0x3FB5] =	sst s8  }
0x11: {  	[smem:$0x3FB6] =	sst s9;
	s0 =	simm.s32 @!p0 $0x0  }
0x12: {  	s1 =	sld [smem:$0x3F9C];
	s0 =	simm.s32 @p0 $0x1  }
0x13: {  	[smem:$0x3FB7] =	sst s0;
	s0 =	simm.s32 @!p1 $0x0  }
0x14: {  	s2 =	sld [smem:$0x3F9B];
	s0 =	simm.s32 @p1 $0x1  }
0x15: {  	[smem:$0x3FB8] =	sst s0;
	s0 =	simm.s32 @!p2 $0x0  }
0x16: {  	s3 =	sld [smem:$0x3FDB];
	s0 =	simm.s32 @p2 $0x1  }
0x17: {  	s4 =	simm.s32 $0x1BF5;
	[smem:$0x3FBA] =	sst s0  }
0x18: {  	s0 =	sld [smem:$0x3F9D];
	_ =	swait.ge [sflag:s4], $0x0  }
0x19: {  	s7 =	sld [smem:$0x3F9E]  }
0x1a: {  	s8 =	sadd.s32 $0xFFFFE003, lr  }
0x1b: {  	s9 =	sadd.s32 $0xFFFFFEF7, lr;
	s5 =	simm.s32 $0xFFFFFFFF;
	p2 =	slt.u32 s8, $0xFFFFF086  }
0x1c: {  	p1 =	slt.u32 s9, $0xF7A;
	s5 =	simm.s32 @!p2 $0x0  }
0x1d: {  	s5 =	simm.s32 @p1 $0x1;
	p0 =	seq.s32 s7, s2  }
0x1e: {  	s7 =	smul.u32 @!p0 $0xF7A, s2;
	p2 =	seq.s32 @!p0 s5, $0x0  }
0x1f: {  	s9 =	smul.u32 $0xF7A, s1;
	s8 =	simm.s32 @!p0 $0x1BF5;
	p2 =	por !p2, p0  }
0x20: {  	[sflag:s8] =	ssyncset.s32 @!p0 $0xFFFFF086;
	s6 =	sadd.s32 @!p0 s3, s7;
	s7 =	simm.s32 @!p0 $0x108  }
0x21: {  	s3 =	sadd.s32 s3, s9;
	s6 =	sadd.s32 @!p0 $0x88, s6;
	s7 =	simm.s32 @p2 $0x1082  }
0x22: {  	[simem:s7], [sflag:s8] =	dma.local @!p0 [hbm:s6], $0xF7A  }
0x23: {  	s9 =	sor.u32 $0xD0000000, s2;
	s6 =	simm.s32 $0x108;
	_ =	swait.ge @!p0 [sflag:s8], $0x0  }
0x24: {  	s3 =	sadd.s32 $0x88, s3;
	s6 =	simm.s32 @!p1 $0x1082;
	[sflag:s4] =	ssyncset.s32 $0xFFFFF086  }
0x25: {  	[simem:s6], [sflag:s4] =	dma.local [hbm:s3], $0xF7A  }
0x26: {  	[smem:$0x3F9E] =	sst s1;
	(tag) =	ssettag s2;
	_ =	strace s9  }
0x27: {  	s1 =	sld [smem:$0x3FAE]  }
0x28: {  	s2 =	sld [smem:$0x3FAF]  }
0x29: {  	s4 =	sld [smem:$0x3FB1]  }
0x2a: {  	p0 =	seq.s32 s5, $0x0;
	s5 =	sld [smem:$0x3FB2]  }
0x2b: {  	s6 =	sld [smem:$0x3FB3]  }
0x2c: {  	s7 =	sld [smem:$0x3FB4]  }
0x2d: {  	s3 =	simm.s32 $0x108;
	s8 =	sld [smem:$0x3FB5]  }
0x2e: {  	s3 =	simm.s32 @!p0 $0x1082;
	s9 =	sld [smem:$0x3FB6]  }
0x2f: {  	lr =	sadd.s32 s0, s3;
	s0 =	sld [smem:$0x3FAD]  }
0x30: {  	s3 =	sld [smem:$0x3FB0]  }
0x31: {  	[smem:$0x3FB9] =	sst s10  }
0x32: {  	s10 =	sld [smem:$0x3FB7];
	_ =	sdelay $0x3  }
0x33: {  	p0 =	seq.s32 s10, $0x1;
	s10 =	sld [smem:$0x3FB9];
	_ =	sdelay $0x3  }
0x34: {  	[smem:$0x3FB9] =	sst s10  }
0x35: {  	s10 =	sld [smem:$0x3FB8];
	_ =	sdelay $0x3  }
0x36: {  	p1 =	seq.s32 s10, $0x1;
	s10 =	sld [smem:$0x3FB9];
	_ =	sdelay $0x3  }
0x37: {  	[smem:$0x3FB9] =	sst s10  }
0x38: {  	s10 =	sld [smem:$0x3FBA]  }
0x39: {  	_ = 	snop;
	(pc) =	sbr.ind lr, $3  }
0x3a: {  	_ = 	snop  }
0x3b: {  	_ = 	snop  }
0x3c: {  	p2 =	seq.s32 s10, $0x1;
	s10 =	sld [smem:$0x3FB9]  }
0x3d: {  	_ =	shalt  }
0x3e: {  	_ =	shalt  }
0x3f: {  	_ =	shalt  }
0x40: {  	_ =	shalt  }
0x41: {  	_ =	shalt  }
0x42: {  	_ =	shalt  }
0x43: {  	_ =	shalt  }
0x44: {  	_ =	shalt  }
0x45: {  	_ =	shalt  }
0x46: {  	_ =	shalt  }
0x47: {  	_ =	shalt  }
0x48: {  	_ =	shalt  }
0x49: {  	_ =	shalt  }
0x4a: {  	_ =	shalt  }
0x4b: {  	_ =	shalt  }
0x4c: {  	_ =	shalt  }
0x4d: {  	_ =	shalt  }
0x4e: {  	_ =	shalt  }
0x4f: {  	_ =	shalt  }
0x50: {  	_ =	shalt  }
0x51: {  	_ =	shalt  }
0x52: {  	_ =	shalt  }
0x53: {  	_ =	shalt  }
0x54: {  	_ =	shalt  }
0x55: {  	_ =	shalt  }
0x56: {  	_ =	shalt  }
0x57: {  	_ =	shalt  }
0x58: {  	_ =	shalt  }
0x59: {  	_ =	shalt  }
0x5a: {  	_ =	shalt  }
0x5b: {  	_ =	shalt  }
0x5c: {  	_ =	shalt  }
0x5d: {  	_ =	shalt  }
0x5e: {  	_ =	shalt  }
0x5f: {  	_ =	shalt  }
0x60: {  	_ =	shalt  }
0x61: {  	_ =	shalt  }
0x62: {  	_ =	shalt  }
0x63: {  	_ =	shalt  }
0x64: {  	_ =	shalt  }
0x65: {  	_ =	shalt  }
0x66: {  	_ =	shalt  }
0x67: {  	_ =	shalt  }
0x68: {  	_ =	shalt  }
0x69: {  	_ =	shalt  }
0x6a: {  	_ =	shalt  }
0x6b: {  	_ =	shalt  }
0x6c: {  	_ =	shalt  }
0x6d: {  	_ =	shalt  }
0x6e: {  	_ =	shalt  }
0x6f: {  	_ =	shalt  }
0x70: {  	_ =	shalt  }
0x71: {  	_ =	shalt  }
0x72: {  	_ =	shalt  }
0x73: {  	_ =	shalt  }
0x74: {  	_ =	shalt  }
0x75: {  	_ =	shalt  }
0x76: {  	_ =	shalt  }
0x77: {  	_ =	shalt  }
0x78: {  	_ =	shalt  }
0x79: {  	_ =	shalt  }
0x7a: {  	_ =	shalt  }
0x7b: {  	_ =	shalt  }
0x7c: {  	_ =	shalt  }
0x7d: {  	_ =	shalt  }
0x7e: {  	_ =	shalt  }
0x7f: {  	_ =	shalt  }
0x80: {  	_ =	shalt  }
0x81: {  	_ =	shalt  }
0x82: {  	_ =	shalt  }
0x83: {  	_ =	shalt  }
0x84: {  	_ =	shalt  }
0x85: {  	_ =	shalt  }
0x86: {  	_ =	shalt  }
0x87: {  	_ =	shalt  }
.Lfunc_end0:
.L_simem_size_0:
called_computation_lowered:
.L_overlay_start_0:
0x88: {  	s2 =	sld [smem:$0x3FD9]  }
0x89: {  	s3 =	sld [smem:$0x3FFE];
	_ =	sdelay $0x1  }
0x8a: {  	s1 =	srdreg.scid  }
0x8b: {  	s0 =	sand.u32 $0x1, s1  }
0x8c: {  	s16 =	sshll.u32 s0, $0xA;
	s2 =	sadd.s32 s3, s2  }
0x8d: {  	s2 =	sadd.s32 s2, s16  }
0x8e: {  	[smem:$0x3FC5] =	sst s2  }
0x8f: {  	_ = 	snop  }
0x90: {  	(tm) =	ssettm $0x1  }
0x91: {  	s17 =	sld [smem:$0x3FFB];
	_ =	sdelay $0x3  }
0x92: {  	_ =	strace s17  }
0x93: {  	s2 =	sld [smem:$0x3FFC];
	_ =	sdelay $0x3  }
0x94: {  	_ =	strace s2  }
0x95: {  	s2 =	sld [smem:$0x3FFD];
	_ =	sdelay $0x3  }
0x96: {  	_ =	strace s2  }
0x97: {  	_ =	strace $0x8FFFFFFF  }
0x98: {  	s18 =	sld [smem:$0x3FDB];
	_ =	sdelay $0x1  }
0x99: {  	s19 =	simm.s32 $_scs_section_size  }
0x9a: {  	s4 =	simm.s32 $_size__tile_overlayer_lowered;
	s5 =	simm.s32 $_tile_overlayer_lowered  }
0x9b: {  	s22 =	simm.s32 $0x1BFF;
	s21 =	sshll.u32 s5, $0x1;
	s2 =	sadd.s32 s19, s18  }
0x9c: {  	s6 =	simm.s32 $0x0;
	s20 =	sshll.u32 s4, $0x1;
	s4 =	sadd.s32 s21, s2  }
0x9d: {  	[timem:s6], [sflag:s22] =	dma.local [hbm:s4], s20  }
0x9e: {  	_ =	swait.ge [sflag:s22], s20  }
0x9f: {  	s3 =	ssub.s32 $0x0, s20;
	[sflag:s22] =	ssyncset.done $0x0  }
0xa0: {  	[sflag:s22] =	ssyncadd.s32 s3;
	_ =	sdelay $0x1  }
0xa1: {  	s23 =	simm.s32 $0x1B8B  }
0xa2: {  	_ =	swait.ge [sflag:s23], $0x1  }
0xa3: {  	[sflag:s23] =	ssyncset.done $0x0  }
0xa4: {  	s25 =	simm.s32 $0x1B8E;
	s24 =	sld [smem:$0x3FFE];
	[sflag:s23] =	ssyncadd.s32 $0xFFFFFFFF  }
0xa5: {  	s26 =	simm.s32 $execute0_lowered;
	[smem:$0x3FD2] =	sst s25  }
0xa6: {  	s4 =	sshll.u32 s26, $0x1;
	_ =	strace $0x80000046;
	[dreg:$0x1] =	wrdreg $0xFFFFFFFF  }
0xa7: {  	s28 =	simm.s32 $_size_execute0_lowered;
	s2 =	sadd.s32 s2, s4;
	[dreg:$0x0] =	wrdreg $0x0  }
0xa8: {  	s4 =	sshll.u32 s28, $0x1;
	[dreg:$0x2] =	wrdreg s2  }
0xa9: {  	[dreg:$0x3] =	wrdreg s4  }
0xaa: {  	[dreg:$0x4] =	wrdreg $0xC0  }
0xab: {  	_ =	task [dreg:s6], $0x5FFFF  }
0xac: {  	[dreg:$0x1] =	wrdreg $0xFFFFFFFF  }
0xad: {  	[dreg:$0x0] =	wrdreg $0x60  }
0xae: {  	[dreg:$0x2] =	wrdreg s24  }
0xaf: {  	[dreg:$0x3] =	wrdreg $0x9  }
0xb0: {  	_ =	task.clear_ibuf [dreg:s6], $0x4FFFF;
	_ =	strace $0x90000046  }
0xb1: {  	s29 =	simm.s32 $0x9;
	_ =	strace $0x80000048  }
0xb2: {  	_ =	swait.ge [sflag:s29], $0x1  }
0xb3: {  	[sflag:s29] =	ssyncadd.s32 $0xFFFFFFFF  }
0xb4: {  	_ =	strace $0x90000048  }
0xb5: {  	_ =	sfence  }
0xb6: {  	s30 =	sld [smem:$0x0];
	_ =	sdelay $0x2  }
0xb7: {  	s31 =	sshll.u32 s1, $0xD;
	s1 =	sshrl.u32 s1, $0x2  }
0xb8: {  	s3 =	sand.u32 $0x4000, s31;
	s1 =	sadd.s32 s1, s30  }
0xb9: {  	s0 =	sor.u32 s3, s0;
	s1 =	sshll.u32 s1, $0x11  }
0xba: {  	s0 =	sor.u32 s1, s0  }
0xbb: {  	s0 =	sadd.s32 $0x8F2B, s0  }
0xbc: {  	[sflag:s0] =	ssyncadd.remote.s32 $0x1  }
0xbd: {  	_ =	sfence.sel $0xFFFF  }
0xbe: {  	[dreg:$0x0] =	wrdreg $0xFFFFFFFF;
	(pc) =	sbr.abs _section_cstart, $3  }
0xbf: {  	[dreg:$0x1] =	wrdreg $0xFFFFFFFF  }
0xc0: {  	_ =	task.clear_ibuf [dreg:s6], $0x2FFFF;
	_ =	strace $0x9FFFFFFF  }
0xc1: {  	(tm) =	ssettm $0x7FFFFFFF  }
tec
execute0_lowered:
.L_overlay_start_1:
0x0: {  	(tag) =	ssettag $0x1  }
0x1: {  	s3 =	rddreg [dreg:$0x0]  }
0x2: {  	s0 =	rddreg [dreg:$0x1]  }
0x3: {  	s2 =	simm.s32 $0x0;
	s4 =	srdreg.scid;
	s1 =	stileid.u32;
	v0 =	vimm.s32 $0xFEDCBA98  }
0x4: {  	v1 =	vimm.s32 $0x76543210;
	s10 =	simm.s32 $0x4000;
	s11 =	simm.s32 $0x8000;
	s12 =	simm.s32 $0xC000;
	v0 =	vunpack.c.l.s4.s8 v0  }
0x5: {  	s13 =	simm.s32 $0xC080;
	s4 =	sand.u32 $0x1, s4;
	s5 =	sshll.u32 s1, $0x1;
	v1 =	vunpack.c.l.s4.s8 v1  }
0x6: {  	s14 =	simm.s32 $0x0;
	[smem:$0x7FF] =	sst s2;
	s5 =	sor.u32 s4, s5;
	v0 =	vunpack.c.0.s8.s32 v0  }
0x7: {  	v2 =	vlaneseq.u32;
	_ =	strace $0x80000047;
	s4 =	ssub.s32 $0x2, s4;
	s6 =	sshll.u32 s5, $0xB;
	v1 =	vunpack.c.0.s8.s32 v1  }
0x8: {  	v2 =	vshrl.u32 v2, $0x3;
	s5 =	sshll.u32 s5, $0x4;
	s7 =	sshrl.u32 s4, $0x1;
	s6 =	sadd.s32 s6, s3;
	v0 =	vand.u32 $0xF, v0  }
0x9: {  	s8 =	sadd.s32 s5, s3;
	s9 =	ssub.s32 s4, s7;
	s3 =	sadd.s32 $0x11200, s6;
	v0 =	vcombine.low v0, v1;
	v1 =	vmul.u32 $0x3F800000, v2  }
0xa: {  	s4 =	sadd.s32 $0xA1200, s6;
	s5 =	sadd.s32 $0x1200, s6;
	s6 =	sadd.s32 $0xB1400, s8  }
0xb: {  	vm0 =	vmmov $0xff;
	s7 =	sadd.s32 $0xB1200, s8;
	s8 =	smax.u32 s9, $0x1;
	s9 =	simm.s32 $0x1;
	v1 =	vperm.xlane v1, v0  }
.LBB2_1:
0xc: {  	[tilespmem:s2], [sflag:$0x1] =	stream.linear.gather [hbm4b:s3+s2], $0x4000, $0x38;
	[tilespmem:$0xC100] =	vst v63  }
0xd: {  	_ =	swait.ge [sflag:s9], $0x4000  }
0xe: {  	[sflag:s9] =	ssyncset.done $0x0  }
0xf: {  	[sflag:s9] =	ssyncadd.s32 $0xFFFFC000  }
0x10: {  	[tilespmem:s10], [sflag:$0x1] =	stream.linear.gather [hbm4b:s4+s2], $0x4000, $0x38;
	[tilespmem:$0xC100] =	vst v63  }
0x11: {  	_ =	swait.ge [sflag:s9], $0x4000  }
0x12: {  	[sflag:s9] =	ssyncset.done $0x0  }
0x13: {  	[sflag:s9] =	ssyncadd.s32 $0xFFFFC000  }
0x14: {  	[tilespmem:s11], [sflag:$0x1] =	stream.linear.gather [hbm4b:s5+s2], $0x4000, $0x38;
	[tilespmem:$0xC100] =	vst v63  }
0x15: {  	_ =	swait.ge [sflag:s9], $0x4000  }
0x16: {  	s15 =	sand.u32 $0x3800, s2;
	s16 =	sand.u32 $0x380, s2;
	[sflag:s9] =	ssyncset.done $0x0  }
0x17: {  	s17 =	sor.u32 s16, s15;
	[sflag:s9] =	ssyncadd.s32 $0xFFFFC000  }
0x18: {  	v5 =	vld [tilespmem:s17+$0x4060]  }
0x19: {  	v6 =	vld [tilespmem:s17+$0x430]  }
0x1a: {  	v7 =	vld [tilespmem:s17+$0x0]  }
0x1b: {  	v8 =	vld [tilespmem:s17+$0x4050]  }
0x1c: {  	v9 =	vld [tilespmem:s17+$0x10]  }
0x1d: {  	v10 =	vld [tilespmem:s17+$0x20]  }
0x1e: {  	v11 =	vld [tilespmem:s17+$0x4040]  }
0x1f: {  	v13 =	vld [tilespmem:s17+$0x30]  }
0x20: {  	v14 =	vld [tilespmem:s17+$0x60];
	v12 =	vmul.f32 $1.442695020e+00, v7  }
0x21: {  	v16 =	vld [tilespmem:s17+$0x40]  }
0x22: {  	v17 =	vld [tilespmem:s17+$0x50];
	v15 =	vmul.f32 $1.442695020e+00, v9;
	(erf) = vpow2.f32 v12  }
0x23: {  	v18 =	vld [tilespmem:s17+$0x4030];
	v12 =	vmul.f32 $1.442695020e+00, v10  }
0x24: {  	v21 =	vld [tilespmem:s17+$0x4010];
	v19 =	vmul.f32 $1.442695020e+00, v13;
	(erf) = vpow2.f32 v15  }
0x25: {  	v5 =	vmul.f32 v5, v14;
	v15 =	vld [tilespmem:s17+$0x4000];
	(erf) = vpow2.f32 v12  }
0x26: {  	v22 =	vmul.f32 $1.442695020e+00, v16;
	v11 =	vmul.f32 v11, v16;
	v16 =	vld [tilespmem:s17+$0x70]  }
0x27: {  	v20 =	vmul.f32 $1.442695020e+00, v6;
	v12 =	vld [tilespmem:s17+$0x4020];
	(erf) = vpow2.f32 v19  }
0x28: {  	v2 =	vld [tilespmem:s17+$0x8430];
	v8 =	vmul.f32 v8, v17;
	v17 =	vmul.f32 $1.442695020e+00, v17  }
0x29: {  	v13 =	vmul.f32 v18, v13;
	v19 =	vld [tilespmem:s17+$0x8000];
	(erf) = vpow2.f32 v22  }
0x2a: {  	v14 =	vmul.f32 $1.442695020e+00, v14;
	v7 =	vmul.f32 v15, v7;
	v15 =	vld [tilespmem:s17+$0x400]  }
0x2b: {  	v18 =	vld [tilespmem:s17+$0x8010];
	v9 =	vmul.f32 v21, v9;
	v22 =	vpop (erf);
	(erf) = vpow2.f32 v17  }
0x2c: {  	v10 =	vmul.f32 v12, v10;
	v12 =	vld [tilespmem:s17+$0x410];
	v7 =	vsub.f32 v22, v7;
	v22 =	vmul.f32 $1.442695020e+00, v16  }
0x2d: {  	v21 =	vld [tilespmem:s17+$0x8020];
	v17 =	vimm.f32 $0.0e+00;
	v23 =	vpop (erf);
	(erf) = vpow2.f32 v14  }
0x2e: {  	v3 =	vld [tilespmem:s17+$0x4430];
	v9 =	vsub.f32 v23, v9;
	v23 =	vpop (erf);
	(erf) = vpow2.f32 v20;
	v7 =	vmul.f32 v7, v19  }
0x2f: {  	v20 =	vld [tilespmem:s17+$0x8030];
	v10 =	vsub.f32 v23, v10;
	v23 =	vmul.f32 $1.442695020e+00, v15;
	(erf) = vpow2.f32 v22  }
0x30: {  	v14 =	vld [tilespmem:s17+$0x420];
	v9 =	vmul.f32 v9, v18;
	v7 =	vadd.f32 v7, v17;
	v17 =	vadd.f32 v19, v17;
	v22 =	vpop (erf)  }
0x31: {  	s15 =	sor.u32 $0x440, s17;
	v24 =	vmul.f32 $1.442695020e+00, v12;
	(erf) = vpow2.f32 v23;
	v13 =	vsub.f32 v22, v13;
	v22 =	vld [tilespmem:s17+$0x8040]  }
0x32: {  	v19 =	vld.msk [tilespmem:s15+$0x0], $0xff;
	v10 =	vmul.f32 v10, v21;
	v7 =	vadd.f32 v9, v7;
	v9 =	vadd.f32 v18, v17;
	v18 =	vpop (erf)  }
0x33: {  	(erf) = vpow2.f32 v24;
	v11 =	vsub.f32 v18, v11;
	v18 =	vld [tilespmem:s17+$0x8050]  }
0x34: {  	v17 =	vld [tilespmem:s17+$0x4070];
	v7 =	vadd.f32 v10, v7;
	v9 =	vadd.f32 v21, v9;
	v10 =	vmul.f32 v13, v20;
	v21 =	vpop (erf)  }
0x35: {  	v23 =	vmul.f32 $1.442695020e+00, v14;
	v13 =	vld [tilespmem:s17+$0x4400];
	v8 =	vsub.f32 v21, v8  }
0x36: {  	v21 =	vld [tilespmem:s17+$0x8060];
	v10 =	vadd.f32 v10, v7;
	v9 =	vadd.f32 v20, v9;
	v11 =	vmul.f32 v11, v22  }
0x37: {  	(erf) = vpow2.f32 v23;
	v63 =	vmul.f32 $1.442695020e+00, v19;
	v20 =	vld [tilespmem:s17+$0x4410]  }
0x38: {  	v4 =	vld [tilespmem:s17+$0x4420];
	v7 =	vpop (erf);
	v10 =	vadd.f32 v11, v10;
	v9 =	vadd.f32 v22, v9;
	v11 =	vmul.f32 v8, v18  }
0x39: {  	s28 =	sor.u32 $0x8440, s17;
	v23 =	vld [tilespmem:s17+$0x8070];
	v16 =	vmul.f32 v17, v16;
	(erf) = vpow2.f32 v63;
	v5 =	vsub.f32 v7, v5;
	v7 =	vpop (erf)  }
0x3a: {  	v17 =	vld.msk [tilespmem:s28+$0x0], $0xff;
	v8 =	vpop (erf);
	v9 =	vadd.f32 v18, v9  }
0x3b: {  	s29 =	sor.u32 $0x4440, s17;
	v22 =	vld [tilespmem:s17+$0x8400];
	v13 =	vmul.f32 v13, v15;
	v10 =	vadd.f32 v11, v10;
	v16 =	vsub.f32 v8, v16  }
0x3c: {  	s18 =	simm.s32 $0x100;
	s16 =	simm.s32 $0x80;
	v15 =	vld.msk [tilespmem:s29+$0x0], $0xff;
	v5 =	vmul.f32 v5, v21;
	v12 =	vmul.f32 v20, v12;
	v11 =	vpop (erf);
	v9 =	vadd.f32 v21, v9  }
0x3d: {  	s30 =	sand.u32 $0x3800, s18;
	s31 =	sand.u32 $0x380, s16;
	v18 =	vsub.f32 v11, v13;
	v11 =	vld [tilespmem:s17+$0x8410];
	v13 =	vmul.f32 v3, v6;
	v3 =	vpop (erf)  }
0x3e: {  	s15 =	sor.u32 s31, s30;
	v6 =	vadd.f32 v5, v10;
	v16 =	vmul.f32 v16, v23;
	v10 =	vld [tilespmem:s17+$0x8420];
	v20 =	vsub.f32 v3, v12  }
0x3f: {  	v8 =	vmul.f32 v1, v2;
	v5 =	vld [tilespmem:s15+$0x8430];
	v12 =	vmul.f32 v4, v14;
	v21 =	vadd.f32 v23, v9  }
0x40: {  	v14 =	vmul.f32 v1, v17;
	v3 =	vld [tilespmem:s15+$0x4430];
	v6 =	vadd.f32 v16, v6;
	v17 =	vmul.f32 v18, v22;
	v9 =	vpop (erf)  }
0x41: {  	v4 =	vld [tilespmem:s15+$0x4420];
	v19 =	vmul.f32 v15, v19;
	v15 =	vadd.f32 v22, v21;
	v16 =	vsub.f32 v9, v12  }
0x42: {  	s17 =	simm.s32 $0x200;
	v12 =	vperm.xlane v8, v0;
	v9 =	vld [tilespmem:s15+$0x4060];
	v17 =	vadd.f32 v17, v6;
	v18 =	vmul.f32 v20, v11;
	v20 =	vpop (erf)  }
.LBB2_2:
0x43: {  	p0 =	sne.s32 s17, $0x3F00;
	v6 =	vld [tilespmem:s15+$0x430];
	v7 =	vsub.f32 v7, v13;
	v13 =	vperm.xlane v14, v0;
	v19 =	vsub.f32 v20, v19  }
0x44: {  	v20 =	vld [tilespmem:s15+$0x0];
	v17 =	vadd.f32 v18, v17;
	v11 =	vadd.f32 v11, v15;
	v15 =	vmul.f32 v16, v10  }
0x45: {  	v16 =	vld [tilespmem:s15+$0x4050];
	v8 =	vmul.f32 v7, v8;
	v14 =	vmul.f32 v19, v14  }
0x46: {  	v7 =	vmul.f32 v7, v2;
	v18 =	vld [tilespmem:s15+$0x10];
	v15 =	vadd.f32 v15, v17;
	v10 =	vadd.f32 v10, v11  }
0x47: {  	v11 =	vld [tilespmem:s15+$0x20];
	v8 =	vperm.xlane v8, v0;
	v14 =	vperm.xlane v14, v0  }
0x48: {  	v17 =	vld [tilespmem:s15+$0x4040];
	v7 =	vadd.f32 v7, v15;
	v10 =	vadd.f32 v2, v10;
	v2 =	vmov v5  }
0x49: {  	v12 =	vsel vm0, v12, v13;
	v5 =	vmul.f32 $1.442695020e+00, v20;
	v15 =	vld [tilespmem:s15+$0x30];
	v8 =	vsel vm0, v8, v14  }
0x4a: {  	v13 =	vld [tilespmem:s15+$0x60];
	v7 =	vadd.f32 v8, v7;
	v8 =	vadd.f32 v12, v10  }
0x4b: {  	v10 =	vmul.f32 $1.442695020e+00, v18;
	v12 =	vld [tilespmem:s15+$0x40];
	(erf) = vpow2.f32 v5  }
0x4c: {  	v5 =	vmul.f32 $1.442695020e+00, v11;
	v14 =	vld [tilespmem:s15+$0x50]  }
0x4d: {  	v19 =	vld [tilespmem:s15+$0x4030];
	(erf) = vpow2.f32 v10  }
0x4e: {  	v10 =	vld [tilespmem:s15+$0x4000];
	v21 =	vmul.f32 $1.442695020e+00, v15;
	(erf) = vpow2.f32 v5  }
0x4f: {  	v22 =	vmul.f32 $1.442695020e+00, v6;
	v5 =	vld [tilespmem:s15+$0x4020];
	v9 =	vmul.f32 v9, v13  }
0x50: {  	v23 =	vld [tilespmem:s15+$0x4010];
	v24 =	vmul.f32 $1.442695020e+00, v12;
	(erf) = vpow2.f32 v21  }
0x51: {  	v12 =	vmul.f32 v17, v12;
	v16 =	vmul.f32 v16, v14;
	v17 =	vld [tilespmem:s15+$0x70]  }
0x52: {  	v14 =	vmul.f32 $1.442695020e+00, v14;
	v21 =	vld [tilespmem:s15+$0x8000];
	(erf) = vpow2.f32 v24  }
0x53: {  	v15 =	vmul.f32 v19, v15;
	v10 =	vmul.f32 v10, v20;
	v19 =	vld [tilespmem:s15+$0x400]  }
0x54: {  	v13 =	vmul.f32 $1.442695020e+00, v13;
	v20 =	vld [tilespmem:s15+$0x8010];
	v24 =	vpop (erf);
	(erf) = vpow2.f32 v14  }
0x55: {  	v5 =	vmul.f32 v5, v11;
	v10 =	vsub.f32 v24, v10;
	v14 =	vmul.f32 v23, v18;
	v18 =	vld [tilespmem:s15+$0x410]  }
0x56: {  	v11 =	vld [tilespmem:s15+$0x8020];
	v23 =	vmul.f32 $1.442695020e+00, v17;
	v24 =	vpop (erf);
	(erf) = vpow2.f32 v13  }
0x57: {  	v10 =	vmul.f32 v10, v21;
	v25 =	vsub.f32 v24, v14;
	v14 =	vld [tilespmem:s15+$0x420];
	v24 =	vpop (erf);
	(erf) = vpow2.f32 v22  }
0x58: {  	s18 =	sor.u32 $0x440, s15;
	v5 =	vsub.f32 v24, v5;
	v22 =	vld [tilespmem:s15+$0x8030];
	v24 =	vmul.f32 $1.442695020e+00, v19;
	(erf) = vpow2.f32 v23  }
0x59: {  	v8 =	vadd.f32 v21, v8;
	v7 =	vadd.f32 v10, v7;
	v10 =	vmul.f32 v25, v20;
	v21 =	vld.msk [tilespmem:s18+$0x0], $0xff;
	v13 =	vpop (erf)  }
0x5a: {  	v25 =	vsub.f32 v13, v15;
	v15 =	vld [tilespmem:s15+$0x8040];
	v23 =	vmul.f32 $1.442695020e+00, v18;
	(erf) = vpow2.f32 v24  }
0x5b: {  	v8 =	vadd.f32 v20, v8;
	v7 =	vadd.f32 v10, v7;
	v5 =	vmul.f32 v5, v11;
	v10 =	vld [tilespmem:s15+$0x4070];
	v20 =	vpop (erf)  }
0x5c: {  	v12 =	vsub.f32 v20, v12;
	v20 =	vld [tilespmem:s15+$0x8050];
	v24 =	vmul.f32 $1.442695020e+00, v14;
	(erf) = vpow2.f32 v23  }
0x5d: {  	v26 =	vadd.f32 v11, v8;
	v5 =	vadd.f32 v5, v7;
	v8 =	vmul.f32 v25, v22;
	v11 =	vld [tilespmem:s15+$0x4400];
	v13 =	vpop (erf)  }
0x5e: {  	v13 =	vsub.f32 v13, v16;
	v16 =	vld [tilespmem:s15+$0x8060];
	v23 =	vmul.f32 $1.442695020e+00, v21;
	(erf) = vpow2.f32 v24  }
0x5f: {  	v25 =	vadd.f32 v22, v26;
	v5 =	vadd.f32 v8, v5;
	v12 =	vmul.f32 v12, v15;
	v22 =	vld [tilespmem:s15+$0x4410];
	v7 =	vpop (erf)  }
0x60: {  	s18 =	sor.u32 $0x8440, s15;
	v9 =	vsub.f32 v7, v9;
	v24 =	vld [tilespmem:s15+$0x8070];
	v10 =	vmul.f32 v10, v17;
	v7 =	vpop (erf);
	(erf) = vpow2.f32 v23  }
0x61: {  	v5 =	vadd.f32 v12, v5;
	v12 =	vadd.f32 v15, v25;
	v25 =	vmul.f32 v13, v20;
	v15 =	vld.msk [tilespmem:s18+$0x0], $0xff;
	v8 =	vpop (erf)  }
0x62: {  	s18 =	sor.u32 $0x4440, s15;
	v10 =	vsub.f32 v8, v10;
	v23 =	vld [tilespmem:s15+$0x8400];
	v11 =	vmul.f32 v11, v19;
	v8 =	vmul.f32 v1, v2  }
0x63: {  	s16 =	sadd.s32 $0x80, s16;
	v5 =	vadd.f32 v25, v5;
	v12 =	vadd.f32 v20, v12;
	v9 =	vmul.f32 v9, v16;
	v17 =	vld.msk [tilespmem:s18+$0x0], $0xff;
	v13 =	vpop (erf)  }
0x64: {  	s19 =	sand.u32 $0x380, s16;
	s18 =	sand.u32 $0x3800, s17;
	v19 =	vsub.f32 v13, v11;
	v11 =	vld [tilespmem:s15+$0x8410];
	v18 =	vmul.f32 v22, v18;
	v13 =	vmul.f32 v3, v6  }
.Ltmp0:
0x65: {  	v6 =	vadd.f32 v9, v5;
	v22 =	vadd.f32 v16, v12;
	v12 =	vmul.f32 v10, v24;
	v10 =	vld [tilespmem:s15+$0x8420];
	s15 =	sor.u32 s19, s18;
	v3 =	vpop (erf);
	(pc) =	sbr.rel @p0 .LBB2_2-.Ltmp0, $4  }
0x66: {  	v16 =	vmul.f32 v4, v14;
	v5 =	vld [tilespmem:s15+$0x8430];
	v18 =	vsub.f32 v3, v18;
	v14 =	vmul.f32 v1, v15  }
0x67: {  	v3 =	vld [tilespmem:s15+$0x4430];
	v6 =	vadd.f32 v12, v6;
	v15 =	vadd.f32 v24, v22;
	v22 =	vmul.f32 v19, v23;
	v9 =	vpop (erf)  }
0x68: {  	v12 =	vperm.xlane v8, v0;
	v4 =	vld [tilespmem:s15+$0x4420];
	v16 =	vsub.f32 v9, v16;
	v19 =	vmul.f32 v17, v21  }
0x69: {  	s17 =	sadd.s32 $0x100, s17;
	v9 =	vld [tilespmem:s15+$0x4060];
	v17 =	vadd.f32 v22, v6;
	v15 =	vadd.f32 v23, v15;
	v18 =	vmul.f32 v18, v11;
	v20 =	vpop (erf)  }
0x6a: {  	v6 =	vld [tilespmem:s15+$0x430]  }
0x6b: {  	v21 =	vld [tilespmem:s15+$0x0]  }
0x6c: {  	v22 =	vld [tilespmem:s15+$0x4050]  }
0x6d: {  	v23 =	vld [tilespmem:s15+$0x10]  }
0x6e: {  	v58 =	vld [tilespmem:s15+$0x20]  }
0x6f: {  	v7 =	vsub.f32 v7, v13;
	v19 =	vsub.f32 v20, v19;
	v59 =	vld [tilespmem:s15+$0x30]  }
0x70: {  	v24 =	vperm.xlane v14, v0;
	v16 =	vmul.f32 v16, v10;
	v25 =	vld [tilespmem:s15+$0x4040]  }
0x71: {  	v61 =	vld [tilespmem:s15+$0x40];
	v8 =	vmul.f32 v7, v8;
	v60 =	vmul.f32 v19, v14  }
0x72: {  	v27 =	vld [tilespmem:s15+$0x60];
	v7 =	vmul.f32 v7, v2;
	v26 =	vmul.f32 $1.442695020e+00, v21  }
0x73: {  	v63 =	vld [tilespmem:s15+$0x50];
	v8 =	vperm.xlane v8, v0;
	v14 =	vperm.xlane v60, v0  }
0x74: {  	v32 =	vld [tilespmem:s15+$0x4000];
	v28 =	vmul.f32 $1.442695020e+00, v23;
	(erf) = vpow2.f32 v26  }
0x75: {  	v34 =	vld [tilespmem:s15+$0x4030];
	v62 =	vmul.f32 $1.442695020e+00, v58;
	v33 =	vmul.f32 $1.442695020e+00, v59  }
0x76: {  	v36 =	vld [tilespmem:s15+$0x4020];
	v37 =	vmul.f32 $1.442695020e+00, v61;
	(erf) = vpow2.f32 v28  }
0x77: {  	v39 =	vld [tilespmem:s15+$0x4010];
	v17 =	vadd.f32 v18, v17;
	v9 =	vmul.f32 v9, v27;
	v38 =	vmul.f32 v25, v61  }
0x78: {  	v41 =	vld [tilespmem:s15+$0x70];
	v11 =	vadd.f32 v11, v15;
	v40 =	vmul.f32 v22, v63;
	(erf) = vpow2.f32 v62  }
0x79: {  	v12 =	vsel vm0, v12, v24;
	v15 =	vmul.f32 v32, v21;
	v43 =	vmul.f32 $1.442695020e+00, v63  }
0x7a: {  	v16 =	vadd.f32 v16, v17;
	v44 =	vmul.f32 $1.442695020e+00, v6;
	(erf) = vpow2.f32 v33  }
0x7b: {  	v42 =	vld [tilespmem:s15+$0x8000];
	v35 =	vadd.f32 v10, v11;
	v17 =	vmul.f32 v34, v59;
	v47 =	vmul.f32 $1.442695020e+00, v27  }
0x7c: {  	v45 =	vld [tilespmem:s15+$0x400];
	v7 =	vadd.f32 v7, v16;
	v19 =	vmul.f32 v39, v23;
	(erf) = vpow2.f32 v37  }
0x7d: {  	v46 =	vld [tilespmem:s15+$0x8010];
	v2 =	vadd.f32 v2, v35;
	v11 =	vmul.f32 v36, v58;
	v51 =	vmul.f32 $1.442695020e+00, v41;
	v48 =	vpop (erf)  }
0x7e: {  	v49 =	vld [tilespmem:s15+$0x410];
	v8 =	vsel vm0, v8, v14;
	(erf) = vpow2.f32 v43;
	v15 =	vsub.f32 v48, v15  }
0x7f: {  	v50 =	vld [tilespmem:s15+$0x8020];
	v7 =	vadd.f32 v8, v7;
	v2 =	vadd.f32 v12, v2;
	(erf) = vpow2.f32 v47;
	v52 =	vpop (erf)  }
0x80: {  	v53 =	vld [tilespmem:s15+$0x420];
	(erf) = vpow2.f32 v44;
	v19 =	vsub.f32 v52, v19;
	v15 =	vmul.f32 v15, v42  }
0x81: {  	v55 =	vld [tilespmem:s15+$0x8030];
	s16 =	sor.u32 $0x440, s15;
	v56 =	vmul.f32 $1.442695020e+00, v45;
	v2 =	vadd.f32 v42, v2;
	v54 =	vpop (erf);
	(erf) = vpow2.f32 v51  }
0x82: {  	v58 =	vld.msk [tilespmem:s16+$0x0], $0xff;
	v11 =	vsub.f32 v54, v11;
	v57 =	vmul.f32 v19, v46;
	v7 =	vadd.f32 v15, v7  }
0x83: {  	v60 =	vld [tilespmem:s15+$0x8040];
	v61 =	vmul.f32 $1.442695020e+00, v49;
	v2 =	vadd.f32 v46, v2;
	v59 =	vpop (erf);
	(erf) = vpow2.f32 v56  }
0x84: {  	v63 =	vld [tilespmem:s15+$0x4070];
	v17 =	vsub.f32 v59, v17;
	v62 =	vmul.f32 v11, v50;
	v7 =	vadd.f32 v57, v7  }
0x85: {  	v29 =	vmul.f32 $1.442695020e+00, v53;
	v28 =	vld [tilespmem:s15+$0x8050];
	v2 =	vadd.f32 v50, v2;
	v27 =	vpop (erf);
	(erf) = vpow2.f32 v61  }
0x86: {  	v31 =	vld [tilespmem:s15+$0x4400];
	v15 =	vsub.f32 v27, v38;
	v30 =	vmul.f32 v17, v55;
	v7 =	vadd.f32 v62, v7  }
0x87: {  	v33 =	vld [tilespmem:s15+$0x8060];
	v34 =	vmul.f32 $1.442695020e+00, v58;
	v2 =	vadd.f32 v55, v2;
	v32 =	vpop (erf);
	(erf) = vpow2.f32 v29  }
0x88: {  	v36 =	vld [tilespmem:s15+$0x4410];
	v10 =	vsub.f32 v32, v40;
	v35 =	vmul.f32 v15, v60;
	v7 =	vadd.f32 v30, v7  }
0x89: {  	v2 =	vadd.f32 v60, v2;
	v38 =	vld [tilespmem:s15+$0x8070];
	v11 =	vmul.f32 v63, v41;
	v37 =	vpop (erf);
	(erf) = vpow2.f32 v34  }
0x8a: {  	v40 =	vmul.f32 v10, v28;
	v9 =	vsub.f32 v37, v9;
	v39 =	vpop (erf);
	v7 =	vadd.f32 v35, v7  }
0x8b: {  	s30 =	sor.u32 $0x4440, s15;
	v12 =	vmul.f32 v31, v45;
	v42 =	vld [tilespmem:s15+$0x8400];
	v2 =	vadd.f32 v28, v2;
	v41 =	vpop (erf)  }
0x8c: {  	v44 =	vld.msk [tilespmem:s30+$0x0], $0xff;
	v10 =	vsub.f32 v41, v11;
	v43 =	vmul.f32 v9, v33;
	v7 =	vadd.f32 v40, v7  }
0x8d: {  	s31 =	sor.u32 $0x8440, s15;
	v4 =	vmul.f32 v4, v53;
	v13 =	vmul.f32 v36, v49;
	v46 =	vld [tilespmem:s15+$0x8410];
	v2 =	vadd.f32 v33, v2;
	v45 =	vpop (erf)  }
0x8e: {  	v47 =	vld.msk [tilespmem:s31+$0x0], $0xff;
	v12 =	vsub.f32 v45, v12;
	v48 =	vmul.f32 v10, v38;
	v7 =	vadd.f32 v43, v7  }
0x8f: {  	v3 =	vmul.f32 v3, v6;
	v51 =	vld [tilespmem:s15+$0x8420];
	v50 =	vmul.f32 v1, v5;
	v2 =	vadd.f32 v38, v2;
	v49 =	vpop (erf)  }
0x90: {  	v10 =	vsub.f32 v49, v13;
	v52 =	vmul.f32 v12, v42;
	v7 =	vadd.f32 v48, v7  }
0x91: {  	v54 =	vmul.f32 v44, v58;
	v3 =	vsub.f32 v39, v3;
	v2 =	vadd.f32 v42, v2;
	v53 =	vpop (erf)  }
0x92: {  	v4 =	vsub.f32 v53, v4;
	v55 =	vmul.f32 v10, v46;
	v56 =	vpop (erf);
	v7 =	vadd.f32 v52, v7  }
0x93: {  	v57 =	vmul.f32 v1, v47;
	v2 =	vadd.f32 v46, v2;
	v6 =	vsub.f32 v56, v54  }
0x94: {  	v60 =	vperm.xlane v50, v0;
	v4 =	vmul.f32 v4, v51;
	v7 =	vadd.f32 v55, v7  }
0x95: {  	v58 =	vmul.f32 v3, v50;
	v2 =	vadd.f32 v51, v2;
	v6 =	vmul.f32 v6, v57  }
0x96: {  	v61 =	vperm.xlane v57, v0;
	v3 =	vmul.f32 v3, v5;
	v4 =	vadd.f32 v4, v7  }
0x97: {  	v59 =	vperm.xlane v58, v0;
	v2 =	vadd.f32 v5, v2;
	v6 =	vperm.xlane v6, v0  }
0x98: {  	v63 =	vsel vm0, v60, v61;
	v3 =	vadd.f32 v3, v4  }
0x99: {  	v2 =	vadd.f32 v63, v2;
	v62 =	vsel vm0, v59, v6  }
0x9a: {  	v3 =	vadd.f32 v62, v3  }
0x9b: {  	[tilespmem:$0xC080] =	vst v2  }
0x9c: {  	[tilespmem:$0xC000] =	vst v3  }
0x9d: {  	[hbm4b:s6+s2] =	stream.linear.scatter [tilespmem:s12], [sflag:$0x1], $0x80, $0x38;
	[tilespmem:$0xC100] =	vst v63  }
0x9e: {  	s14 =	sadd.s32 $0x1, s14;
	_ =	swait.ge [sflag:s9], $0x80  }
0x9f: {  	p0 =	sne.s32 s14, s8;
	[sflag:s9] =	ssyncset.done $0x0  }
.Ltmp1:
0xa0: {  	[sflag:s9] =	ssyncadd.s32 $0xFFFFFF80;
	(pc) =	sbr.rel @p0 .LBB2_1-.Ltmp1, $4  }
0xa1: {  	[hbm4b:s7+s2] =	stream.linear.scatter [tilespmem:s13], [sflag:$0x1], $0x80, $0x38;
	[tilespmem:$0xC100] =	vst v63  }
0xa2: {  	_ =	swait.ge [sflag:s9], $0x80  }
0xa3: {  	[sflag:s9] =	ssyncset.done $0x0  }
0xa4: {  	[sflag:s9] =	ssyncadd.s32 $0xFFFFFF80  }
0xa5: {  	_ =	sfence.sel $0x180000  }
0xa6: {  	[bflag:$0x0] =	sbarrier.arrive $0xFFFF  }
0xa7: {  	p0 =	sne.s32 s1, $0x0;
	_ =	strace $0x90000047  }
0xa8: {  	s0 =	sadd.s32 @!p0 $0x100000, s0;
	[bflag:$0x2] =	sbarrier.arrive $0xFFFF  }
0xa9: {  	[sflag:s0] =	ssyncadd.tile.s32 @!p0 $0x1;
	_ =	shalt  }
.Lfunc_end2:
_tile_overlayer_lowered:
.L_overlay_start_2:
0xaa: {  	(tag) =	ssettag $0x2  }
0xab: {  	s0 =	rddreg [dreg:$0x0];
	s2 =	stileid.u32  }
0xac: {  	s1 =	rddreg [dreg:$0x1];
	p0 =	sne.s32 s2, $0x0  }
0xad: {  	s3 =	rddreg [dreg:$0x2];
	[bflag:$0x3] =	sbarrier.arrive $0xFFFF;
	s2 =	simm.s32 @!p0 $0x1C01  }
0xae: {  	[timem:s3], [sflag:s2] =	dma.local @!p0 [hbm:s0], s1  }
0xaf: {  	s0 =	simm.s32 @!p0 $0x1  }
0xb0: {  	_ =	swait.ge @!p0 [sflag:s0], s1  }
0xb1: {  	s1 =	ssub.s32 @!p0 $0x0, s1;
	[sflag:s0] =	ssyncset.done @!p0 $0x0  }
0xb2: {  	[sflag:s0] =	ssyncadd.s32 @!p0 s1  }
0xb3: {  	[bflag:$0x3] =	sbarrier.arrive $0xFFFF  }
0xb4: {  	_ =	shalt  }

</sc_bundles>
